<compile_context>
chip_gen: v7x
topology: tpu7x:2x2x1
jax: 0.10.2.dev20260603
libtpu: 0.0.44.dev20260713+nightly
codegen_flags: <defaults>
</compile_context>

<pallas_src>
import functools

import jax
import jax.numpy as jnp
from jax import lax
from jax.experimental import pallas as pl
from jax.experimental.pallas import tpu as pltpu
from jax.experimental.pallas import tpu_sc as plsc

NS = 16
LANES = 16
F = 128
NCHUNK = F // LANES
L_BASKET = 200
ROWS_PER_TILE = 16
N_FULL_TILES = L_BASKET // ROWS_PER_TILE
TAIL_ROWS = L_BASKET - N_FULL_TILES * ROWS_PER_TILE
TILE_TAIL = N_FULL_TILES
TILE_UI = TILE_TAIL + 1
TILE_IL = TILE_UI + 1
N_PARTIALS = TILE_IL + 1
INV_L = 1.0 / L_BASKET

_mesh = plsc.VectorSubcoreMesh(
    core_axis_name="c", subcore_axis_name="s", num_cores=1, num_subcores=NS
)


@functools.partial(
    pl.kernel,
    out_type=jax.ShapeDtypeStruct((LANES,), jnp.float32),
    mesh=_mesh,
    scratch_types=[
        pltpu.VMEM((ROWS_PER_TILE,), jnp.int32),
        pltpu.VMEM((1,), jnp.int32),
        pltpu.VMEM((1,), jnp.int32),
        pltpu.VMEM((1,), jnp.int32),
        pltpu.VMEM((ROWS_PER_TILE, F), jnp.float32),
        pltpu.VMEM_SHARED((N_PARTIALS, F), jnp.float32),
        pltpu.SemaphoreType.DMA,
        pltpu.SemaphoreType.DMA,
        pltpu.SemaphoreType.DMA,
    ],
)
def _fpmc_sc(idx_hbm, i_hbm, j_hbm, u_hbm, vui_hbm, viu_hbm, vil_hbm, vli_hbm,
             out_hbm,
             idx_v, i_v, j_v, u_v, rows_v, shared, sem0, sem1, sem2):
    s = lax.axis_index("s")

    @pl.when(s <= TILE_TAIL)
    def _basket():
        base = jnp.minimum(s * ROWS_PER_TILE, L_BASKET - ROWS_PER_TILE)
        start = jnp.where(s == TILE_TAIL, ROWS_PER_TILE - TAIL_ROWS, 0)
        pltpu.sync_copy(idx_hbm.at[pl.ds(base, ROWS_PER_TILE)], idx_v)
        pltpu.async_copy(vli_hbm.at[idx_v], rows_v, sem0).wait()

        def row_add(r, accs):
            return tuple(
                accs[k] + rows_v[r, pl.ds(k * LANES, LANES)]
                for k in range(NCHUNK)
            )

        accs = lax.fori_loop(
            start, ROWS_PER_TILE, row_add,
            tuple(jnp.zeros((LANES,), jnp.float32) for _ in range(NCHUNK)),
        )
        for k in range(NCHUNK):
            rows_v[0, pl.ds(k * LANES, LANES)] = accs[k]
        pltpu.sync_copy(rows_v.at[pl.ds(0, 1)], shared.at[pl.ds(s, 1)])

    @pl.when(s == TILE_UI)
    def _singles():
        cu = pltpu.async_copy(u_hbm, u_v, sem0)
        ci = pltpu.async_copy(i_hbm, i_v, sem1)
        cj = pltpu.async_copy(j_hbm, j_v, sem2)
        cu.wait()
        ci.wait()
        cj.wait()
        c0 = pltpu.async_copy(vui_hbm.at[u_v], rows_v.at[pl.ds(0, 1)], sem0)
        c1 = pltpu.async_copy(viu_hbm.at[i_v], rows_v.at[pl.ds(1, 1)], sem1)
        c2 = pltpu.async_copy(viu_hbm.at[j_v], rows_v.at[pl.ds(2, 1)], sem2)
        c3 = pltpu.async_copy(vil_hbm.at[i_v], rows_v.at[pl.ds(4, 1)], sem1)
        c4 = pltpu.async_copy(vil_hbm.at[j_v], rows_v.at[pl.ds(5, 1)], sem2)
        c0.wait()
        c1.wait()
        c2.wait()
        c3.wait()
        c4.wait()
        sv = jnp.zeros((LANES,), jnp.float32)
        for k in range(NCHUNK):
            dsl = pl.ds(k * LANES, LANES)
            sv = sv + rows_v[0, dsl] * (rows_v[1, dsl] - rows_v[2, dsl])
            rows_v[6, dsl] = rows_v[4, dsl] - rows_v[5, dsl]
        rows_v[3, pl.ds(0, LANES)] = sv
        pltpu.sync_copy(rows_v.at[3, pl.ds(0, LANES)],
                        shared.at[TILE_UI, pl.ds(0, LANES)])
        pltpu.sync_copy(rows_v.at[pl.ds(6, 1)], shared.at[pl.ds(TILE_IL, 1)])

    plsc.subcore_barrier()

    @pl.when(s == 0)
    def _combine():
        pltpu.sync_copy(shared, rows_v.at[pl.ds(0, N_PARTIALS)])

        def row_add(t, ms):
            return tuple(
                ms[k] + rows_v[t, pl.ds(k * LANES, LANES)]
                for k in range(NCHUNK)
            )

        ms = lax.fori_loop(
            1, N_FULL_TILES + 1, row_add,
            tuple(rows_v[0, pl.ds(k * LANES, LANES)] for k in range(NCHUNK)),
        )
        tot = rows_v[TILE_UI, pl.ds(0, LANES)]
        for k in range(NCHUNK):
            tot = tot + rows_v[TILE_IL, pl.ds(k * LANES, LANES)] * (ms[k] * INV_L)
        lane = lax.iota(jnp.int32, LANES)
        for dist in (8, 4, 2, 1):
            perm = jnp.bitwise_xor(lane, dist)
            tot = tot + tot.at[perm].get(mode="promise_in_bounds")
        rows_v[15, pl.ds(0, LANES)] = 1.0 / (1.0 + jnp.exp(tot))
        pltpu.sync_copy(rows_v.at[15, pl.ds(0, LANES)], out_hbm)


def kernel(u, i, j, b_tm1, VUI, VIU, VIL, VLI):
    idx = b_tm1.astype(jnp.int32)
    i1 = jnp.asarray(i, jnp.int32).reshape(1)
    j1 = jnp.asarray(j, jnp.int32).reshape(1)
    u1 = jnp.asarray(u, jnp.int32).reshape(1)
    out = _fpmc_sc(idx, i1, j1, u1, VUI, VIU, VIL, VLI)
    return out[0]

# --- scband reference (transcript-rebuilt; emitter-appended) ---
"""Pipeline reference for scband-fpmc-41240275976811 (READ-ONLY COPY).

The authoritative reference and input builder live on the scoring server;
editing this copy changes nothing except your own understanding.
"""

import jax, jax.numpy as jnp
import numpy as np

N_USER = 100000
N_ITEM = 100000
N_FACTOR = 128
BASKET_LEN = 200


def setup_inputs(seed: int = 0) -> dict:
    key = jax.random.key(seed)
    k1, k2, k3, k4, k5 = jax.random.split(key, 5)
    u = 7
    i = 13
    j = 42
    b_tm1 = jax.random.randint(k5, (BASKET_LEN,), 0, 100)
    VUI = jax.random.normal(k1, (N_USER, N_FACTOR), dtype=jnp.float32) * 0.01
    VIU = jax.random.normal(k2, (N_ITEM, N_FACTOR), dtype=jnp.float32) * 0.01
    VIL = jax.random.normal(k3, (N_ITEM, N_FACTOR), dtype=jnp.float32) * 0.01
    VLI = jax.random.normal(k4, (N_ITEM, N_FACTOR), dtype=jnp.float32) * 0.01
    return {"u": u, "i": i, "j": j, "b_tm1": b_tm1, "VUI": VUI, "VIU": VIU, "VIL": VIL, "VLI": VLI}


def reference(u, i, j, b_tm1, VUI, VIU, VIL, VLI):
    # FPMC.forward: BPR-style loss between positive item i and negative item j
    basket = jnp.take(VLI, b_tm1, axis=0)  # [L, F] gather of previous-basket item embeddings

    def compute_x(item_idx):
        # torch: acc_ = VIL[item_idx] @ VLI[b_tm1].T  -> [L]; mean over dim 0 -> scalar
        acc = jnp.matmul(VIL[item_idx], basket.T)
        acc_val = jnp.mean(acc, axis=0)
        # torch: dot(VUI[u], VIU[item_idx])
        return jnp.dot(VUI[u], VIU[item_idx]) + acc_val

    z1 = compute_x(i)
    z2 = compute_x(j)
    loss = 1.0 - jax.nn.sigmoid(z1 - z2)
    return loss

if __name__ == "__main__":
    import jax
    _d = setup_inputs()
    print(jax.jit(kernel)(*tuple(_d.values())))

</pallas_src>

<mosaic_0001>
#map = affine_map<(d0, d1) -> (0)>
#map1 = affine_map<(d0, d1) -> (0, 0)>
module attributes {stable_mosaic.version = 14 : i64} {
  func.func @_fpmc_sc(%arg0: i32, %arg1: i32, %arg2: memref<200xi32, #tpu.memory_space<hbm>>, %arg3: memref<1xi32, #tpu.memory_space<hbm>>, %arg4: memref<1xi32, #tpu.memory_space<hbm>>, %arg5: memref<1xi32, #tpu.memory_space<hbm>>, %arg6: memref<100000x128xf32, #tpu.memory_space<hbm>>, %arg7: memref<100000x128xf32, #tpu.memory_space<hbm>>, %arg8: memref<100000x128xf32, #tpu.memory_space<hbm>>, %arg9: memref<100000x128xf32, #tpu.memory_space<hbm>>, %arg10: memref<16xf32, #tpu.memory_space<hbm>>, %arg11: memref<16xi32, #tpu.memory_space<vmem>>, %arg12: memref<1xi32, #tpu.memory_space<vmem>>, %arg13: memref<1xi32, #tpu.memory_space<vmem>>, %arg14: memref<1xi32, #tpu.memory_space<vmem>>, %arg15: memref<16x128xf32, #tpu.memory_space<vmem>>, %arg16: memref<15x128xf32, #tpu.memory_space<vmem_shared>>, %arg17: memref<!tpu.dma_semaphore, #tpu.memory_space<semaphore_mem>>, %arg18: memref<!tpu.dma_semaphore, #tpu.memory_space<semaphore_mem>>, %arg19: memref<!tpu.dma_semaphore, #tpu.memory_space<semaphore_mem>>) attributes {dimension_semantics = [#tpu.dimension_semantics<core_parallel>, #tpu.dimension_semantics<subcore_parallel>], iteration_bounds = array<i64: 1, 16>, scalar_prefetch = 0 : i64, scratch_operands = 9 : i64, tpu.core_type = #tpu.core_type<sc_vector_subcore>, window_params = [{transform_indices = #map}, {transform_indices = #map}, {transform_indices = #map}, {transform_indices = #map}, {transform_indices = #map1}, {transform_indices = #map1}, {transform_indices = #map1}, {transform_indices = #map1}, {transform_indices = #map}]} {
    %le3A = arith.constant 12 : i32
    %le3A_0 = arith.cmpi sle, %arg1, %le3A : i32
    %convert_element_type3A = arith.extui %le3A_0 : i1 to i32
    %cond3A = arith.constant 0 : i32
    %cond3A_1 = arith.cmpi ne, %convert_element_type3A, %cond3A : i32
    scf.if %cond3A_1 {
      %mul3A = arith.constant 16 : i32
      %mul3A_11 = arith.muli %arg1, %mul3A : i32
      %min3A = arith.constant 184 : i32
      %min3A_12 = arith.minsi %mul3A_11, %min3A : i32
      %eq3A_13 = arith.constant 12 : i32
      %eq3A_14 = arith.cmpi eq, %arg1, %eq3A_13 : i32
      %jit3A = arith.constant 8 : i32
      %jit3A_15 = arith.constant 0 : i32
      %select_n3A = arith.select %eq3A_14, %jit3A, %jit3A_15 : i32
      "tpu.region"() ({
        %run_scoped3A = tpu.sem_alloc : memref<!tpu.dma_semaphore, #tpu.memory_space<semaphore_mem>>
        %dma_start3A_92 = tpu.memref_slice %arg2[%min3A_12] : memref<200xi32, #tpu.memory_space<hbm>> -> memref<16xi32, #tpu.memory_space<hbm>>
        %dma_start3A_93 = tpu.memref_slice %arg2[%min3A_12] : memref<200xi32, #tpu.memory_space<hbm>> -> memref<16xi32, #tpu.memory_space<hbm>>
        tpu.enqueue_dma source(%dma_start3A_93 : memref<16xi32, #tpu.memory_space<hbm>>) target(%arg11 : memref<16xi32, #tpu.memory_space<vmem>>) target_semaphore(%run_scoped3A : memref<!tpu.dma_semaphore, #tpu.memory_space<semaphore_mem>>)
        %dma_wait3A_94 = tpu.memref_slice %arg2[%min3A_12] : memref<200xi32, #tpu.memory_space<hbm>> -> memref<16xi32, #tpu.memory_space<hbm>>
        %dma_wait3A_95 = tpu.memref_slice %arg2[%min3A_12] : memref<200xi32, #tpu.memory_space<hbm>> -> memref<16xi32, #tpu.memory_space<hbm>>
        tpu.wait_dma2 semaphore(%run_scoped3A : memref<!tpu.dma_semaphore, #tpu.memory_space<semaphore_mem>>) src(%dma_wait3A_95 : memref<16xi32, #tpu.memory_space<hbm>>) dst(%arg11 : memref<16xi32, #tpu.memory_space<vmem>>)
        tpu.yield
      }) : () -> ()
      %dma_start3A = arith.constant 0 : i32
      %dma_start3A_16 = arith.constant 0 : i32
      %dma_start3A_17 = tpu.memref_slice %arg9[%dma_start3A, %dma_start3A_16] : memref<100000x128xf32, #tpu.memory_space<hbm>> -> memref<100000x128xf32, #tpu.memory_space<hbm>>
      tpu.enqueue_indirect_dma source(%dma_start3A_17 : memref<100000x128xf32, #tpu.memory_space<hbm>>) target(%arg15 : memref<16x128xf32, #tpu.memory_space<vmem>>) offsets(%arg11 : memref<16xi32, #tpu.memory_space<vmem>>) semaphore(%arg17 : memref<!tpu.dma_semaphore, #tpu.memory_space<semaphore_mem>>)
      %dma_wait3A = arith.constant 0 : i32
      %dma_wait3A_18 = arith.constant 0 : i32
      %dma_wait3A_19 = tpu.memref_slice %arg9[%dma_wait3A, %dma_wait3A_18] : memref<100000x128xf32, #tpu.memory_space<hbm>> -> memref<100000x128xf32, #tpu.memory_space<hbm>>
      tpu.wait_indirect_dma semaphore(%arg17 : memref<!tpu.dma_semaphore, #tpu.memory_space<semaphore_mem>>) src(%dma_wait3A_19 : memref<100000x128xf32, #tpu.memory_space<hbm>>) dst(%arg15 : memref<16x128xf32, #tpu.memory_space<vmem>>)
      %broadcast_in_dim3A = arith.constant 0.000000e+00 : f32
      %broadcast_in_dim3A_20 = vector.broadcast %broadcast_in_dim3A : f32 to vector<16xf32>
      %broadcast_in_dim3A_21 = arith.constant 0.000000e+00 : f32
      %broadcast_in_dim3A_22 = vector.broadcast %broadcast_in_dim3A_21 : f32 to vector<16xf32>
      %broadcast_in_dim3A_23 = arith.constant 0.000000e+00 : f32
      %broadcast_in_dim3A_24 = vector.broadcast %broadcast_in_dim3A_23 : f32 to vector<16xf32>
      %broadcast_in_dim3A_25 = arith.constant 0.000000e+00 : f32
      %broadcast_in_dim3A_26 = vector.broadcast %broadcast_in_dim3A_25 : f32 to vector<16xf32>
      %broadcast_in_dim3A_27 = arith.constant 0.000000e+00 : f32
      %broadcast_in_dim3A_28 = vector.broadcast %broadcast_in_dim3A_27 : f32 to vector<16xf32>
      %broadcast_in_dim3A_29 = arith.constant 0.000000e+00 : f32
      %broadcast_in_dim3A_30 = vector.broadcast %broadcast_in_dim3A_29 : f32 to vector<16xf32>
      %broadcast_in_dim3A_31 = arith.constant 0.000000e+00 : f32
      %broadcast_in_dim3A_32 = vector.broadcast %broadcast_in_dim3A_31 : f32 to vector<16xf32>
      %broadcast_in_dim3A_33 = arith.constant 0.000000e+00 : f32
      %broadcast_in_dim3A_34 = vector.broadcast %broadcast_in_dim3A_33 : f32 to vector<16xf32>
      %while3A = arith.constant 16 : i32
      %while3A_35 = arith.subi %while3A, %select_n3A : i32
      %while3A_36 = arith.addi %select_n3A, %while3A_35 : i32
      %while3A_37 = arith.constant 1 : i32
      %while3A_38 = arith.divsi %while3A_35, %while3A_37 : i32
      %while3A_39 = arith.muli %while3A_38, %while3A_37 : i32
      %while3A_40 = arith.addi %select_n3A, %while3A_39 : i32
      %while3A_41 = arith.constant 1 : i32
      %while3A_42:8 = scf.for %while3A_92 = %select_n3A to %while3A_40 step %while3A_41 iter_args(%while3A_93 = %broadcast_in_dim3A_20, %while3A_94 = %broadcast_in_dim3A_22, %while3A_95 = %broadcast_in_dim3A_24, %while3A_96 = %broadcast_in_dim3A_26, %while3A_97 = %broadcast_in_dim3A_28, %while3A_98 = %broadcast_in_dim3A_30, %while3A_99 = %broadcast_in_dim3A_32, %while3A_100 = %broadcast_in_dim3A_34) -> (vector<16xf32>, vector<16xf32>, vector<16xf32>, vector<16xf32>, vector<16xf32>, vector<16xf32>, vector<16xf32>, vector<16xf32>)  : i32 {
        %get3A = arith.index_cast %while3A_92 : i32 to index
        %get3A_101 = arith.constant 0 : index
        %get3A_102 = tpu.vector_load %arg15[%get3A, %get3A_101] {strides = array<i32>} : memref<16x128xf32, #tpu.memory_space<vmem>>, vector<1x16xf32>,
        %get3A_103 = vector.shape_cast %get3A_102 : vector<1x16xf32> to vector<16xf32>
        %add3A = arith.addf %while3A_93, %get3A_103 : vector<16xf32>
        %get3A_104 = arith.index_cast %while3A_92 : i32 to index
        %get3A_105 = arith.constant 16 : index
        %get3A_106 = tpu.vector_load %arg15[%get3A_104, %get3A_105] {strides = array<i32>} : memref<16x128xf32, #tpu.memory_space<vmem>>, vector<1x16xf32>,
        %get3A_107 = vector.shape_cast %get3A_106 : vector<1x16xf32> to vector<16xf32>
        %add3A_108 = arith.addf %while3A_94, %get3A_107 : vector<16xf32>
        %get3A_109 = arith.index_cast %while3A_92 : i32 to index
        %get3A_110 = arith.constant 32 : index
        %get3A_111 = tpu.vector_load %arg15[%get3A_109, %get3A_110] {strides = array<i32>} : memref<16x128xf32, #tpu.memory_space<vmem>>, vector<1x16xf32>,
        %get3A_112 = vector.shape_cast %get3A_111 : vector<1x16xf32> to vector<16xf32>
        %add3A_113 = arith.addf %while3A_95, %get3A_112 : vector<16xf32>
        %get3A_114 = arith.index_cast %while3A_92 : i32 to index
        %get3A_115 = arith.constant 48 : index
        %get3A_116 = tpu.vector_load %arg15[%get3A_114, %get3A_115] {strides = array<i32>} : memref<16x128xf32, #tpu.memory_space<vmem>>, vector<1x16xf32>,
        %get3A_117 = vector.shape_cast %get3A_116 : vector<1x16xf32> to vector<16xf32>
        %add3A_118 = arith.addf %while3A_96, %get3A_117 : vector<16xf32>
        %get3A_119 = arith.index_cast %while3A_92 : i32 to index
        %get3A_120 = arith.constant 64 : index
        %get3A_121 = tpu.vector_load %arg15[%get3A_119, %get3A_120] {strides = array<i32>} : memref<16x128xf32, #tpu.memory_space<vmem>>, vector<1x16xf32>,
        %get3A_122 = vector.shape_cast %get3A_121 : vector<1x16xf32> to vector<16xf32>
        %add3A_123 = arith.addf %while3A_97, %get3A_122 : vector<16xf32>
        %get3A_124 = arith.index_cast %while3A_92 : i32 to index
        %get3A_125 = arith.constant 80 : index
        %get3A_126 = tpu.vector_load %arg15[%get3A_124, %get3A_125] {strides = array<i32>} : memref<16x128xf32, #tpu.memory_space<vmem>>, vector<1x16xf32>,
        %get3A_127 = vector.shape_cast %get3A_126 : vector<1x16xf32> to vector<16xf32>
        %add3A_128 = arith.addf %while3A_98, %get3A_127 : vector<16xf32>
        %get3A_129 = arith.index_cast %while3A_92 : i32 to index
        %get3A_130 = arith.constant 96 : index
        %get3A_131 = tpu.vector_load %arg15[%get3A_129, %get3A_130] {strides = array<i32>} : memref<16x128xf32, #tpu.memory_space<vmem>>, vector<1x16xf32>,
        %get3A_132 = vector.shape_cast %get3A_131 : vector<1x16xf32> to vector<16xf32>
        %add3A_133 = arith.addf %while3A_99, %get3A_132 : vector<16xf32>
        %get3A_134 = arith.index_cast %while3A_92 : i32 to index
        %get3A_135 = arith.constant 112 : index
        %get3A_136 = tpu.vector_load %arg15[%get3A_134, %get3A_135] {strides = array<i32>} : memref<16x128xf32, #tpu.memory_space<vmem>>, vector<1x16xf32>,
        %get3A_137 = vector.shape_cast %get3A_136 : vector<1x16xf32> to vector<16xf32>
        %add3A_138 = arith.addf %while3A_100, %get3A_137 : vector<16xf32>
        scf.yield %add3A, %add3A_108, %add3A_113, %add3A_118, %add3A_123, %add3A_128, %add3A_133, %add3A_138 : vector<16xf32>, vector<16xf32>, vector<16xf32>, vector<16xf32>, vector<16xf32>, vector<16xf32>, vector<16xf32>, vector<16xf32>
      }
      %while3A_43 = arith.constant 1 : i32
      %while3A_44:8 = scf.for %while3A_92 = %while3A_40 to %while3A_36 step %while3A_43 iter_args(%while3A_93 = %while3A_42#0, %while3A_94 = %while3A_42#1, %while3A_95 = %while3A_42#2, %while3A_96 = %while3A_42#3, %while3A_97 = %while3A_42#4, %while3A_98 = %while3A_42#5, %while3A_99 = %while3A_42#6, %while3A_100 = %while3A_42#7) -> (vector<16xf32>, vector<16xf32>, vector<16xf32>, vector<16xf32>, vector<16xf32>, vector<16xf32>, vector<16xf32>, vector<16xf32>)  : i32 {
        %get3A = arith.index_cast %while3A_92 : i32 to index
        %get3A_101 = arith.constant 0 : index
        %get3A_102 = tpu.vector_load %arg15[%get3A, %get3A_101] {strides = array<i32>} : memref<16x128xf32, #tpu.memory_space<vmem>>, vector<1x16xf32>,
        %get3A_103 = vector.shape_cast %get3A_102 : vector<1x16xf32> to vector<16xf32>
        %add3A = arith.addf %while3A_93, %get3A_103 : vector<16xf32>
        %get3A_104 = arith.index_cast %while3A_92 : i32 to index
        %get3A_105 = arith.constant 16 : index
        %get3A_106 = tpu.vector_load %arg15[%get3A_104, %get3A_105] {strides = array<i32>} : memref<16x128xf32, #tpu.memory_space<vmem>>, vector<1x16xf32>,
        %get3A_107 = vector.shape_cast %get3A_106 : vector<1x16xf32> to vector<16xf32>
        %add3A_108 = arith.addf %while3A_94, %get3A_107 : vector<16xf32>
        %get3A_109 = arith.index_cast %while3A_92 : i32 to index
        %get3A_110 = arith.constant 32 : index
        %get3A_111 = tpu.vector_load %arg15[%get3A_109, %get3A_110] {strides = array<i32>} : memref<16x128xf32, #tpu.memory_space<vmem>>, vector<1x16xf32>,
        %get3A_112 = vector.shape_cast %get3A_111 : vector<1x16xf32> to vector<16xf32>
        %add3A_113 = arith.addf %while3A_95, %get3A_112 : vector<16xf32>
        %get3A_114 = arith.index_cast %while3A_92 : i32 to index
        %get3A_115 = arith.constant 48 : index
        %get3A_116 = tpu.vector_load %arg15[%get3A_114, %get3A_115] {strides = array<i32>} : memref<16x128xf32, #tpu.memory_space<vmem>>, vector<1x16xf32>,
        %get3A_117 = vector.shape_cast %get3A_116 : vector<1x16xf32> to vector<16xf32>
        %add3A_118 = arith.addf %while3A_96, %get3A_117 : vector<16xf32>
        %get3A_119 = arith.index_cast %while3A_92 : i32 to index
        %get3A_120 = arith.constant 64 : index
        %get3A_121 = tpu.vector_load %arg15[%get3A_119, %get3A_120] {strides = array<i32>} : memref<16x128xf32, #tpu.memory_space<vmem>>, vector<1x16xf32>,
        %get3A_122 = vector.shape_cast %get3A_121 : vector<1x16xf32> to vector<16xf32>
        %add3A_123 = arith.addf %while3A_97, %get3A_122 : vector<16xf32>
        %get3A_124 = arith.index_cast %while3A_92 : i32 to index
        %get3A_125 = arith.constant 80 : index
        %get3A_126 = tpu.vector_load %arg15[%get3A_124, %get3A_125] {strides = array<i32>} : memref<16x128xf32, #tpu.memory_space<vmem>>, vector<1x16xf32>,
        %get3A_127 = vector.shape_cast %get3A_126 : vector<1x16xf32> to vector<16xf32>
        %add3A_128 = arith.addf %while3A_98, %get3A_127 : vector<16xf32>
        %get3A_129 = arith.index_cast %while3A_92 : i32 to index
        %get3A_130 = arith.constant 96 : index
        %get3A_131 = tpu.vector_load %arg15[%get3A_129, %get3A_130] {strides = array<i32>} : memref<16x128xf32, #tpu.memory_space<vmem>>, vector<1x16xf32>,
        %get3A_132 = vector.shape_cast %get3A_131 : vector<1x16xf32> to vector<16xf32>
        %add3A_133 = arith.addf %while3A_99, %get3A_132 : vector<16xf32>
        %get3A_134 = arith.index_cast %while3A_92 : i32 to index
        %get3A_135 = arith.constant 112 : index
        %get3A_136 = tpu.vector_load %arg15[%get3A_134, %get3A_135] {strides = array<i32>} : memref<16x128xf32, #tpu.memory_space<vmem>>, vector<1x16xf32>,
        %get3A_137 = vector.shape_cast %get3A_136 : vector<1x16xf32> to vector<16xf32>
        %add3A_138 = arith.addf %while3A_100, %get3A_137 : vector<16xf32>
        scf.yield %add3A, %add3A_108, %add3A_113, %add3A_118, %add3A_123, %add3A_128, %add3A_133, %add3A_138 : vector<16xf32>, vector<16xf32>, vector<16xf32>, vector<16xf32>, vector<16xf32>, vector<16xf32>, vector<16xf32>, vector<16xf32>
      }
      %swap3A = arith.constant 0 : i32
      %swap3A_45 = arith.index_cast %swap3A : i32 to index
      %swap3A_46 = arith.constant 0 : index
      %swap3A_47 = tpu.vector_load %arg15[%swap3A_45, %swap3A_46] {strides = array<i32>} : memref<16x128xf32, #tpu.memory_space<vmem>>, vector<1x16xf32>,
      %swap3A_48 = vector.shape_cast %swap3A_47 : vector<1x16xf32> to vector<16xf32>
      %swap3A_49 = vector.shape_cast %while3A_44#0 : vector<16xf32> to vector<1x16xf32>
      tpu.vector_store %arg15[%swap3A_45, %swap3A_46], %swap3A_49 {strides = array<i32>} : memref<16x128xf32, #tpu.memory_space<vmem>>, vector<1x16xf32>,
      %swap3A_50 = arith.constant 0 : i32
      %swap3A_51 = arith.index_cast %swap3A_50 : i32 to index
      %swap3A_52 = arith.constant 16 : index
      %swap3A_53 = tpu.vector_load %arg15[%swap3A_51, %swap3A_52] {strides = array<i32>} : memref<16x128xf32, #tpu.memory_space<vmem>>, vector<1x16xf32>,
      %swap3A_54 = vector.shape_cast %swap3A_53 : vector<1x16xf32> to vector<16xf32>
      %swap3A_55 = vector.shape_cast %while3A_44#1 : vector<16xf32> to vector<1x16xf32>
      tpu.vector_store %arg15[%swap3A_51, %swap3A_52], %swap3A_55 {strides = array<i32>} : memref<16x128xf32, #tpu.memory_space<vmem>>, vector<1x16xf32>,
      %swap3A_56 = arith.constant 0 : i32
      %swap3A_57 = arith.index_cast %swap3A_56 : i32 to index
      %swap3A_58 = arith.constant 32 : index
      %swap3A_59 = tpu.vector_load %arg15[%swap3A_57, %swap3A_58] {strides = array<i32>} : memref<16x128xf32, #tpu.memory_space<vmem>>, vector<1x16xf32>,
      %swap3A_60 = vector.shape_cast %swap3A_59 : vector<1x16xf32> to vector<16xf32>
      %swap3A_61 = vector.shape_cast %while3A_44#2 : vector<16xf32> to vector<1x16xf32>
      tpu.vector_store %arg15[%swap3A_57, %swap3A_58], %swap3A_61 {strides = array<i32>} : memref<16x128xf32, #tpu.memory_space<vmem>>, vector<1x16xf32>,
      %swap3A_62 = arith.constant 0 : i32
      %swap3A_63 = arith.index_cast %swap3A_62 : i32 to index
      %swap3A_64 = arith.constant 48 : index
      %swap3A_65 = tpu.vector_load %arg15[%swap3A_63, %swap3A_64] {strides = array<i32>} : memref<16x128xf32, #tpu.memory_space<vmem>>, vector<1x16xf32>,
      %swap3A_66 = vector.shape_cast %swap3A_65 : vector<1x16xf32> to vector<16xf32>
      %swap3A_67 = vector.shape_cast %while3A_44#3 : vector<16xf32> to vector<1x16xf32>
      tpu.vector_store %arg15[%swap3A_63, %swap3A_64], %swap3A_67 {strides = array<i32>} : memref<16x128xf32, #tpu.memory_space<vmem>>, vector<1x16xf32>,
      %swap3A_68 = arith.constant 0 : i32
      %swap3A_69 = arith.index_cast %swap3A_68 : i32 to index
      %swap3A_70 = arith.constant 64 : index
      %swap3A_71 = tpu.vector_load %arg15[%swap3A_69, %swap3A_70] {strides = array<i32>} : memref<16x128xf32, #tpu.memory_space<vmem>>, vector<1x16xf32>,
      %swap3A_72 = vector.shape_cast %swap3A_71 : vector<1x16xf32> to vector<16xf32>
      %swap3A_73 = vector.shape_cast %while3A_44#4 : vector<16xf32> to vector<1x16xf32>
      tpu.vector_store %arg15[%swap3A_69, %swap3A_70], %swap3A_73 {strides = array<i32>} : memref<16x128xf32, #tpu.memory_space<vmem>>, vector<1x16xf32>,
      %swap3A_74 = arith.constant 0 : i32
      %swap3A_75 = arith.index_cast %swap3A_74 : i32 to index
      %swap3A_76 = arith.constant 80 : index
      %swap3A_77 = tpu.vector_load %arg15[%swap3A_75, %swap3A_76] {strides = array<i32>} : memref<16x128xf32, #tpu.memory_space<vmem>>, vector<1x16xf32>,
      %swap3A_78 = vector.shape_cast %swap3A_77 : vector<1x16xf32> to vector<16xf32>
      %swap3A_79 = vector.shape_cast %while3A_44#5 : vector<16xf32> to vector<1x16xf32>
      tpu.vector_store %arg15[%swap3A_75, %swap3A_76], %swap3A_79 {strides = array<i32>} : memref<16x128xf32, #tpu.memory_space<vmem>>, vector<1x16xf32>,
      %swap3A_80 = arith.constant 0 : i32
      %swap3A_81 = arith.index_cast %swap3A_80 : i32 to index
      %swap3A_82 = arith.constant 96 : index
      %swap3A_83 = tpu.vector_load %arg15[%swap3A_81, %swap3A_82] {strides = array<i32>} : memref<16x128xf32, #tpu.memory_space<vmem>>, vector<1x16xf32>,
      %swap3A_84 = vector.shape_cast %swap3A_83 : vector<1x16xf32> to vector<16xf32>
      %swap3A_85 = vector.shape_cast %while3A_44#6 : vector<16xf32> to vector<1x16xf32>
      tpu.vector_store %arg15[%swap3A_81, %swap3A_82], %swap3A_85 {strides = array<i32>} : memref<16x128xf32, #tpu.memory_space<vmem>>, vector<1x16xf32>,
      %swap3A_86 = arith.constant 0 : i32
      %swap3A_87 = arith.index_cast %swap3A_86 : i32 to index
      %swap3A_88 = arith.constant 112 : index
      %swap3A_89 = tpu.vector_load %arg15[%swap3A_87, %swap3A_88] {strides = array<i32>} : memref<16x128xf32, #tpu.memory_space<vmem>>, vector<1x16xf32>,
      %swap3A_90 = vector.shape_cast %swap3A_89 : vector<1x16xf32> to vector<16xf32>
      %swap3A_91 = vector.shape_cast %while3A_44#7 : vector<16xf32> to vector<1x16xf32>
      tpu.vector_store %arg15[%swap3A_87, %swap3A_88], %swap3A_91 {strides = array<i32>} : memref<16x128xf32, #tpu.memory_space<vmem>>, vector<1x16xf32>,
      "tpu.region"() ({
        %run_scoped3A = tpu.sem_alloc : memref<!tpu.dma_semaphore, #tpu.memory_space<semaphore_mem>>
        %dma_start3A_92 = arith.constant 0 : i32
        %dma_start3A_93 = arith.constant 0 : i32
        %dma_start3A_94 = tpu.memref_slice %arg15[%dma_start3A_92, %dma_start3A_93] : memref<16x128xf32, #tpu.memory_space<vmem>> -> memref<1x128xf32, #tpu.memory_space<vmem>>
        %dma_start3A_95 = arith.constant 0 : i32
        %dma_start3A_96 = tpu.memref_slice %arg16[%arg1, %dma_start3A_95] : memref<15x128xf32, #tpu.memory_space<vmem_shared>> -> memref<1x128xf32, #tpu.memory_space<vmem_shared>>
        %dma_start3A_97 = arith.constant 0 : i32
        %dma_start3A_98 = tpu.memref_slice %arg16[%arg1, %dma_start3A_97] : memref<15x128xf32, #tpu.memory_space<vmem_shared>> -> memref<1x128xf32, #tpu.memory_space<vmem_shared>>
        %dma_start3A_99 = arith.constant 0 : i32
        %dma_start3A_100 = arith.constant 0 : i32
        %dma_start3A_101 = tpu.memref_slice %arg15[%dma_start3A_99, %dma_start3A_100] : memref<16x128xf32, #tpu.memory_space<vmem>> -> memref<1x128xf32, #tpu.memory_space<vmem>>
        tpu.enqueue_dma source(%dma_start3A_101 : memref<1x128xf32, #tpu.memory_space<vmem>>) target(%dma_start3A_98 : memref<1x128xf32, #tpu.memory_space<vmem_shared>>) target_semaphore(%run_scoped3A : memref<!tpu.dma_semaphore, #tpu.memory_space<semaphore_mem>>)
        %dma_wait3A_102 = arith.constant 0 : i32
        %dma_wait3A_103 = arith.constant 0 : i32
        %dma_wait3A_104 = tpu.memref_slice %arg15[%dma_wait3A_102, %dma_wait3A_103] : memref<16x128xf32, #tpu.memory_space<vmem>> -> memref<1x128xf32, #tpu.memory_space<vmem>>
        %dma_wait3A_105 = arith.constant 0 : i32
        %dma_wait3A_106 = tpu.memref_slice %arg16[%arg1, %dma_wait3A_105] : memref<15x128xf32, #tpu.memory_space<vmem_shared>> -> memref<1x128xf32, #tpu.memory_space<vmem_shared>>
        %dma_wait3A_107 = arith.constant 0 : i32
        %dma_wait3A_108 = tpu.memref_slice %arg16[%arg1, %dma_wait3A_107] : memref<15x128xf32, #tpu.memory_space<vmem_shared>> -> memref<1x128xf32, #tpu.memory_space<vmem_shared>>
        %dma_wait3A_109 = arith.constant 0 : i32
        %dma_wait3A_110 = arith.constant 0 : i32
        %dma_wait3A_111 = tpu.memref_slice %arg15[%dma_wait3A_109, %dma_wait3A_110] : memref<16x128xf32, #tpu.memory_space<vmem>> -> memref<1x128xf32, #tpu.memory_space<vmem>>
        tpu.wait_dma2 semaphore(%run_scoped3A : memref<!tpu.dma_semaphore, #tpu.memory_space<semaphore_mem>>) src(%dma_wait3A_111 : memref<1x128xf32, #tpu.memory_space<vmem>>) dst(%dma_wait3A_108 : memref<1x128xf32, #tpu.memory_space<vmem_shared>>)
        tpu.yield
      }) : () -> ()
    } else {
    }
    %eq3A = arith.constant 13 : i32
    %eq3A_2 = arith.cmpi eq, %arg1, %eq3A : i32
    %convert_element_type3A_3 = arith.extui %eq3A_2 : i1 to i32
    %cond3A_4 = arith.constant 0 : i32
    %cond3A_5 = arith.cmpi ne, %convert_element_type3A_3, %cond3A_4 : i32
    scf.if %cond3A_5 {
      tpu.enqueue_dma source(%arg5 : memref<1xi32, #tpu.memory_space<hbm>>) target(%arg14 : memref<1xi32, #tpu.memory_space<vmem>>) target_semaphore(%arg17 : memref<!tpu.dma_semaphore, #tpu.memory_space<semaphore_mem>>)
      tpu.enqueue_dma source(%arg3 : memref<1xi32, #tpu.memory_space<hbm>>) target(%arg12 : memref<1xi32, #tpu.memory_space<vmem>>) target_semaphore(%arg18 : memref<!tpu.dma_semaphore, #tpu.memory_space<semaphore_mem>>)
      tpu.enqueue_dma source(%arg4 : memref<1xi32, #tpu.memory_space<hbm>>) target(%arg13 : memref<1xi32, #tpu.memory_space<vmem>>) target_semaphore(%arg19 : memref<!tpu.dma_semaphore, #tpu.memory_space<semaphore_mem>>)
      tpu.wait_dma2 semaphore(%arg17 : memref<!tpu.dma_semaphore, #tpu.memory_space<semaphore_mem>>) src(%arg5 : memref<1xi32, #tpu.memory_space<hbm>>) dst(%arg14 : memref<1xi32, #tpu.memory_space<vmem>>)
      tpu.wait_dma2 semaphore(%arg18 : memref<!tpu.dma_semaphore, #tpu.memory_space<semaphore_mem>>) src(%arg3 : memref<1xi32, #tpu.memory_space<hbm>>) dst(%arg12 : memref<1xi32, #tpu.memory_space<vmem>>)
      tpu.wait_dma2 semaphore(%arg19 : memref<!tpu.dma_semaphore, #tpu.memory_space<semaphore_mem>>) src(%arg4 : memref<1xi32, #tpu.memory_space<hbm>>) dst(%arg13 : memref<1xi32, #tpu.memory_space<vmem>>)
      %dma_start3A = arith.constant 0 : i32
      %dma_start3A_11 = arith.constant 0 : i32
      %dma_start3A_12 = tpu.memref_slice %arg15[%dma_start3A, %dma_start3A_11] : memref<16x128xf32, #tpu.memory_space<vmem>> -> memref<1x128xf32, #tpu.memory_space<vmem>>
      %dma_start3A_13 = arith.constant 0 : i32
      %dma_start3A_14 = arith.constant 0 : i32
      %dma_start3A_15 = tpu.memref_slice %arg6[%dma_start3A_13, %dma_start3A_14] : memref<100000x128xf32, #tpu.memory_space<hbm>> -> memref<100000x128xf32, #tpu.memory_space<hbm>>
      tpu.enqueue_indirect_dma source(%dma_start3A_15 : memref<100000x128xf32, #tpu.memory_space<hbm>>) target(%dma_start3A_12 : memref<1x128xf32, #tpu.memory_space<vmem>>) offsets(%arg14 : memref<1xi32, #tpu.memory_space<vmem>>) semaphore(%arg17 : memref<!tpu.dma_semaphore, #tpu.memory_space<semaphore_mem>>)
      %dma_start3A_16 = arith.constant 1 : i32
      %dma_start3A_17 = arith.constant 0 : i32
      %dma_start3A_18 = tpu.memref_slice %arg15[%dma_start3A_16, %dma_start3A_17] : memref<16x128xf32, #tpu.memory_space<vmem>> -> memref<1x128xf32, #tpu.memory_space<vmem>>
      %dma_start3A_19 = arith.constant 0 : i32
      %dma_start3A_20 = arith.constant 0 : i32
      %dma_start3A_21 = tpu.memref_slice %arg7[%dma_start3A_19, %dma_start3A_20] : memref<100000x128xf32, #tpu.memory_space<hbm>> -> memref<100000x128xf32, #tpu.memory_space<hbm>>
      tpu.enqueue_indirect_dma source(%dma_start3A_21 : memref<100000x128xf32, #tpu.memory_space<hbm>>) target(%dma_start3A_18 : memref<1x128xf32, #tpu.memory_space<vmem>>) offsets(%arg12 : memref<1xi32, #tpu.memory_space<vmem>>) semaphore(%arg18 : memref<!tpu.dma_semaphore, #tpu.memory_space<semaphore_mem>>)
      %dma_start3A_22 = arith.constant 2 : i32
      %dma_start3A_23 = arith.constant 0 : i32
      %dma_start3A_24 = tpu.memref_slice %arg15[%dma_start3A_22, %dma_start3A_23] : memref<16x128xf32, #tpu.memory_space<vmem>> -> memref<1x128xf32, #tpu.memory_space<vmem>>
      %dma_start3A_25 = arith.constant 0 : i32
      %dma_start3A_26 = arith.constant 0 : i32
      %dma_start3A_27 = tpu.memref_slice %arg7[%dma_start3A_25, %dma_start3A_26] : memref<100000x128xf32, #tpu.memory_space<hbm>> -> memref<100000x128xf32, #tpu.memory_space<hbm>>
      tpu.enqueue_indirect_dma source(%dma_start3A_27 : memref<100000x128xf32, #tpu.memory_space<hbm>>) target(%dma_start3A_24 : memref<1x128xf32, #tpu.memory_space<vmem>>) offsets(%arg13 : memref<1xi32, #tpu.memory_space<vmem>>) semaphore(%arg19 : memref<!tpu.dma_semaphore, #tpu.memory_space<semaphore_mem>>)
      %dma_start3A_28 = arith.constant 4 : i32
      %dma_start3A_29 = arith.constant 0 : i32
      %dma_start3A_30 = tpu.memref_slice %arg15[%dma_start3A_28, %dma_start3A_29] : memref<16x128xf32, #tpu.memory_space<vmem>> -> memref<1x128xf32, #tpu.memory_space<vmem>>
      %dma_start3A_31 = arith.constant 0 : i32
      %dma_start3A_32 = arith.constant 0 : i32
      %dma_start3A_33 = tpu.memref_slice %arg8[%dma_start3A_31, %dma_start3A_32] : memref<100000x128xf32, #tpu.memory_space<hbm>> -> memref<100000x128xf32, #tpu.memory_space<hbm>>
      tpu.enqueue_indirect_dma source(%dma_start3A_33 : memref<100000x128xf32, #tpu.memory_space<hbm>>) target(%dma_start3A_30 : memref<1x128xf32, #tpu.memory_space<vmem>>) offsets(%arg12 : memref<1xi32, #tpu.memory_space<vmem>>) semaphore(%arg18 : memref<!tpu.dma_semaphore, #tpu.memory_space<semaphore_mem>>)
      %dma_start3A_34 = arith.constant 5 : i32
      %dma_start3A_35 = arith.constant 0 : i32
      %dma_start3A_36 = tpu.memref_slice %arg15[%dma_start3A_34, %dma_start3A_35] : memref<16x128xf32, #tpu.memory_space<vmem>> -> memref<1x128xf32, #tpu.memory_space<vmem>>
      %dma_start3A_37 = arith.constant 0 : i32
      %dma_start3A_38 = arith.constant 0 : i32
      %dma_start3A_39 = tpu.memref_slice %arg8[%dma_start3A_37, %dma_start3A_38] : memref<100000x128xf32, #tpu.memory_space<hbm>> -> memref<100000x128xf32, #tpu.memory_space<hbm>>
      tpu.enqueue_indirect_dma source(%dma_start3A_39 : memref<100000x128xf32, #tpu.memory_space<hbm>>) target(%dma_start3A_36 : memref<1x128xf32, #tpu.memory_space<vmem>>) offsets(%arg13 : memref<1xi32, #tpu.memory_space<vmem>>) semaphore(%arg19 : memref<!tpu.dma_semaphore, #tpu.memory_space<semaphore_mem>>)
      %dma_wait3A = arith.constant 0 : i32
      %dma_wait3A_40 = arith.constant 0 : i32
      %dma_wait3A_41 = tpu.memref_slice %arg15[%dma_wait3A, %dma_wait3A_40] : memref<16x128xf32, #tpu.memory_space<vmem>> -> memref<1x128xf32, #tpu.memory_space<vmem>>
      %dma_wait3A_42 = arith.constant 0 : i32
      %dma_wait3A_43 = arith.constant 0 : i32
      %dma_wait3A_44 = tpu.memref_slice %arg6[%dma_wait3A_42, %dma_wait3A_43] : memref<100000x128xf32, #tpu.memory_space<hbm>> -> memref<100000x128xf32, #tpu.memory_space<hbm>>
      tpu.wait_indirect_dma semaphore(%arg17 : memref<!tpu.dma_semaphore, #tpu.memory_space<semaphore_mem>>) src(%dma_wait3A_44 : memref<100000x128xf32, #tpu.memory_space<hbm>>) dst(%dma_wait3A_41 : memref<1x128xf32, #tpu.memory_space<vmem>>)
      %dma_wait3A_45 = arith.constant 1 : i32
      %dma_wait3A_46 = arith.constant 0 : i32
      %dma_wait3A_47 = tpu.memref_slice %arg15[%dma_wait3A_45, %dma_wait3A_46] : memref<16x128xf32, #tpu.memory_space<vmem>> -> memref<1x128xf32, #tpu.memory_space<vmem>>
      %dma_wait3A_48 = arith.constant 0 : i32
      %dma_wait3A_49 = arith.constant 0 : i32
      %dma_wait3A_50 = tpu.memref_slice %arg7[%dma_wait3A_48, %dma_wait3A_49] : memref<100000x128xf32, #tpu.memory_space<hbm>> -> memref<100000x128xf32, #tpu.memory_space<hbm>>
      tpu.wait_indirect_dma semaphore(%arg18 : memref<!tpu.dma_semaphore, #tpu.memory_space<semaphore_mem>>) src(%dma_wait3A_50 : memref<100000x128xf32, #tpu.memory_space<hbm>>) dst(%dma_wait3A_47 : memref<1x128xf32, #tpu.memory_space<vmem>>)
      %dma_wait3A_51 = arith.constant 2 : i32
      %dma_wait3A_52 = arith.constant 0 : i32
      %dma_wait3A_53 = tpu.memref_slice %arg15[%dma_wait3A_51, %dma_wait3A_52] : memref<16x128xf32, #tpu.memory_space<vmem>> -> memref<1x128xf32, #tpu.memory_space<vmem>>
      %dma_wait3A_54 = arith.constant 0 : i32
      %dma_wait3A_55 = arith.constant 0 : i32
      %dma_wait3A_56 = tpu.memref_slice %arg7[%dma_wait3A_54, %dma_wait3A_55] : memref<100000x128xf32, #tpu.memory_space<hbm>> -> memref<100000x128xf32, #tpu.memory_space<hbm>>
      tpu.wait_indirect_dma semaphore(%arg19 : memref<!tpu.dma_semaphore, #tpu.memory_space<semaphore_mem>>) src(%dma_wait3A_56 : memref<100000x128xf32, #tpu.memory_space<hbm>>) dst(%dma_wait3A_53 : memref<1x128xf32, #tpu.memory_space<vmem>>)
      %dma_wait3A_57 = arith.constant 4 : i32
      %dma_wait3A_58 = arith.constant 0 : i32
      %dma_wait3A_59 = tpu.memref_slice %arg15[%dma_wait3A_57, %dma_wait3A_58] : memref<16x128xf32, #tpu.memory_space<vmem>> -> memref<1x128xf32, #tpu.memory_space<vmem>>
      %dma_wait3A_60 = arith.constant 0 : i32
      %dma_wait3A_61 = arith.constant 0 : i32
      %dma_wait3A_62 = tpu.memref_slice %arg8[%dma_wait3A_60, %dma_wait3A_61] : memref<100000x128xf32, #tpu.memory_space<hbm>> -> memref<100000x128xf32, #tpu.memory_space<hbm>>
      tpu.wait_indirect_dma semaphore(%arg18 : memref<!tpu.dma_semaphore, #tpu.memory_space<semaphore_mem>>) src(%dma_wait3A_62 : memref<100000x128xf32, #tpu.memory_space<hbm>>) dst(%dma_wait3A_59 : memref<1x128xf32, #tpu.memory_space<vmem>>)
      %dma_wait3A_63 = arith.constant 5 : i32
      %dma_wait3A_64 = arith.constant 0 : i32
      %dma_wait3A_65 = tpu.memref_slice %arg15[%dma_wait3A_63, %dma_wait3A_64] : memref<16x128xf32, #tpu.memory_space<vmem>> -> memref<1x128xf32, #tpu.memory_space<vmem>>
      %dma_wait3A_66 = arith.constant 0 : i32
      %dma_wait3A_67 = arith.constant 0 : i32
      %dma_wait3A_68 = tpu.memref_slice %arg8[%dma_wait3A_66, %dma_wait3A_67] : memref<100000x128xf32, #tpu.memory_space<hbm>> -> memref<100000x128xf32, #tpu.memory_space<hbm>>
      tpu.wait_indirect_dma semaphore(%arg19 : memref<!tpu.dma_semaphore, #tpu.memory_space<semaphore_mem>>) src(%dma_wait3A_68 : memref<100000x128xf32, #tpu.memory_space<hbm>>) dst(%dma_wait3A_65 : memref<1x128xf32, #tpu.memory_space<vmem>>)
      %broadcast_in_dim3A = arith.constant 0.000000e+00 : f32
      %broadcast_in_dim3A_69 = vector.broadcast %broadcast_in_dim3A : f32 to vector<16xf32>
      %get3A = arith.constant 0 : i32
      %get3A_70 = arith.index_cast %get3A : i32 to index
      %get3A_71 = arith.constant 0 : index
      %get3A_72 = tpu.vector_load %arg15[%get3A_70, %get3A_71] {strides = array<i32>} : memref<16x128xf32, #tpu.memory_space<vmem>>, vector<1x16xf32>,
      %get3A_73 = vector.shape_cast %get3A_72 : vector<1x16xf32> to vector<16xf32>
      %get3A_74 = arith.constant 1 : i32
      %get3A_75 = arith.index_cast %get3A_74 : i32 to index
      %get3A_76 = arith.constant 0 : index
      %get3A_77 = tpu.vector_load %arg15[%get3A_75, %get3A_76] {strides = array<i32>} : memref<16x128xf32, #tpu.memory_space<vmem>>, vector<1x16xf32>,
      %get3A_78 = vector.shape_cast %get3A_77 : vector<1x16xf32> to vector<16xf32>
      %get3A_79 = arith.constant 2 : i32
      %get3A_80 = arith.index_cast %get3A_79 : i32 to index
      %get3A_81 = arith.constant 0 : index
      %get3A_82 = tpu.vector_load %arg15[%get3A_80, %get3A_81] {strides = array<i32>} : memref<16x128xf32, #tpu.memory_space<vmem>>, vector<1x16xf32>,
      %get3A_83 = vector.shape_cast %get3A_82 : vector<1x16xf32> to vector<16xf32>
      %sub3A = arith.subf %get3A_78, %get3A_83 : vector<16xf32>
      %mul3A = arith.mulf %get3A_73, %sub3A : vector<16xf32>
      %add3A = arith.addf %broadcast_in_dim3A_69, %mul3A : vector<16xf32>
      %get3A_84 = arith.constant 4 : i32
      %get3A_85 = arith.index_cast %get3A_84 : i32 to index
      %get3A_86 = arith.constant 0 : index
      %get3A_87 = tpu.vector_load %arg15[%get3A_85, %get3A_86] {strides = array<i32>} : memref<16x128xf32, #tpu.memory_space<vmem>>, vector<1x16xf32>,
      %get3A_88 = vector.shape_cast %get3A_87 : vector<1x16xf32> to vector<16xf32>
      %get3A_89 = arith.constant 5 : i32
      %get3A_90 = arith.index_cast %get3A_89 : i32 to index
      %get3A_91 = arith.constant 0 : index
      %get3A_92 = tpu.vector_load %arg15[%get3A_90, %get3A_91] {strides = array<i32>} : memref<16x128xf32, #tpu.memory_space<vmem>>, vector<1x16xf32>,
      %get3A_93 = vector.shape_cast %get3A_92 : vector<1x16xf32> to vector<16xf32>
      %sub3A_94 = arith.subf %get3A_88, %get3A_93 : vector<16xf32>
      %swap3A = arith.constant 6 : i32
      %swap3A_95 = arith.index_cast %swap3A : i32 to index
      %swap3A_96 = arith.constant 0 : index
      %swap3A_97 = tpu.vector_load %arg15[%swap3A_95, %swap3A_96] {strides = array<i32>} : memref<16x128xf32, #tpu.memory_space<vmem>>, vector<1x16xf32>,
      %swap3A_98 = vector.shape_cast %swap3A_97 : vector<1x16xf32> to vector<16xf32>
      %swap3A_99 = vector.shape_cast %sub3A_94 : vector<16xf32> to vector<1x16xf32>
      tpu.vector_store %arg15[%swap3A_95, %swap3A_96], %swap3A_99 {strides = array<i32>} : memref<16x128xf32, #tpu.memory_space<vmem>>, vector<1x16xf32>,
      %get3A_100 = arith.constant 0 : i32
      %get3A_101 = arith.index_cast %get3A_100 : i32 to index
      %get3A_102 = arith.constant 16 : index
      %get3A_103 = tpu.vector_load %arg15[%get3A_101, %get3A_102] {strides = array<i32>} : memref<16x128xf32, #tpu.memory_space<vmem>>, vector<1x16xf32>,
      %get3A_104 = vector.shape_cast %get3A_103 : vector<1x16xf32> to vector<16xf32>
      %get3A_105 = arith.constant 1 : i32
      %get3A_106 = arith.index_cast %get3A_105 : i32 to index
      %get3A_107 = arith.constant 16 : index
      %get3A_108 = tpu.vector_load %arg15[%get3A_106, %get3A_107] {strides = array<i32>} : memref<16x128xf32, #tpu.memory_space<vmem>>, vector<1x16xf32>,
      %get3A_109 = vector.shape_cast %get3A_108 : vector<1x16xf32> to vector<16xf32>
      %get3A_110 = arith.constant 2 : i32
      %get3A_111 = arith.index_cast %get3A_110 : i32 to index
      %get3A_112 = arith.constant 16 : index
      %get3A_113 = tpu.vector_load %arg15[%get3A_111, %get3A_112] {strides = array<i32>} : memref<16x128xf32, #tpu.memory_space<vmem>>, vector<1x16xf32>,
      %get3A_114 = vector.shape_cast %get3A_113 : vector<1x16xf32> to vector<16xf32>
      %sub3A_115 = arith.subf %get3A_109, %get3A_114 : vector<16xf32>
      %mul3A_116 = arith.mulf %get3A_104, %sub3A_115 : vector<16xf32>
      %add3A_117 = arith.addf %add3A, %mul3A_116 : vector<16xf32>
      %get3A_118 = arith.constant 4 : i32
      %get3A_119 = arith.index_cast %get3A_118 : i32 to index
      %get3A_120 = arith.constant 16 : index
      %get3A_121 = tpu.vector_load %arg15[%get3A_119, %get3A_120] {strides = array<i32>} : memref<16x128xf32, #tpu.memory_space<vmem>>, vector<1x16xf32>,
      %get3A_122 = vector.shape_cast %get3A_121 : vector<1x16xf32> to vector<16xf32>
      %get3A_123 = arith.constant 5 : i32
      %get3A_124 = arith.index_cast %get3A_123 : i32 to index
      %get3A_125 = arith.constant 16 : index
      %get3A_126 = tpu.vector_load %arg15[%get3A_124, %get3A_125] {strides = array<i32>} : memref<16x128xf32, #tpu.memory_space<vmem>>, vector<1x16xf32>,
      %get3A_127 = vector.shape_cast %get3A_126 : vector<1x16xf32> to vector<16xf32>
      %sub3A_128 = arith.subf %get3A_122, %get3A_127 : vector<16xf32>
      %swap3A_129 = arith.constant 6 : i32
      %swap3A_130 = arith.index_cast %swap3A_129 : i32 to index
      %swap3A_131 = arith.constant 16 : index
      %swap3A_132 = tpu.vector_load %arg15[%swap3A_130, %swap3A_131] {strides = array<i32>} : memref<16x128xf32, #tpu.memory_space<vmem>>, vector<1x16xf32>,
      %swap3A_133 = vector.shape_cast %swap3A_132 : vector<1x16xf32> to vector<16xf32>
      %swap3A_134 = vector.shape_cast %sub3A_128 : vector<16xf32> to vector<1x16xf32>
      tpu.vector_store %arg15[%swap3A_130, %swap3A_131], %swap3A_134 {strides = array<i32>} : memref<16x128xf32, #tpu.memory_space<vmem>>, vector<1x16xf32>,
      %get3A_135 = arith.constant 0 : i32
      %get3A_136 = arith.index_cast %get3A_135 : i32 to index
      %get3A_137 = arith.constant 32 : index
      %get3A_138 = tpu.vector_load %arg15[%get3A_136, %get3A_137] {strides = array<i32>} : memref<16x128xf32, #tpu.memory_space<vmem>>, vector<1x16xf32>,
      %get3A_139 = vector.shape_cast %get3A_138 : vector<1x16xf32> to vector<16xf32>
      %get3A_140 = arith.constant 1 : i32
      %get3A_141 = arith.index_cast %get3A_140 : i32 to index
      %get3A_142 = arith.constant 32 : index
      %get3A_143 = tpu.vector_load %arg15[%get3A_141, %get3A_142] {strides = array<i32>} : memref<16x128xf32, #tpu.memory_space<vmem>>, vector<1x16xf32>,
      %get3A_144 = vector.shape_cast %get3A_143 : vector<1x16xf32> to vector<16xf32>
      %get3A_145 = arith.constant 2 : i32
      %get3A_146 = arith.index_cast %get3A_145 : i32 to index
      %get3A_147 = arith.constant 32 : index
      %get3A_148 = tpu.vector_load %arg15[%get3A_146, %get3A_147] {strides = array<i32>} : memref<16x128xf32, #tpu.memory_space<vmem>>, vector<1x16xf32>,
      %get3A_149 = vector.shape_cast %get3A_148 : vector<1x16xf32> to vector<16xf32>
      %sub3A_150 = arith.subf %get3A_144, %get3A_149 : vector<16xf32>
      %mul3A_151 = arith.mulf %get3A_139, %sub3A_150 : vector<16xf32>
      %add3A_152 = arith.addf %add3A_117, %mul3A_151 : vector<16xf32>
      %get3A_153 = arith.constant 4 : i32
      %get3A_154 = arith.index_cast %get3A_153 : i32 to index
      %get3A_155 = arith.constant 32 : index
      %get3A_156 = tpu.vector_load %arg15[%get3A_154, %get3A_155] {strides = array<i32>} : memref<16x128xf32, #tpu.memory_space<vmem>>, vector<1x16xf32>,
      %get3A_157 = vector.shape_cast %get3A_156 : vector<1x16xf32> to vector<16xf32>
      %get3A_158 = arith.constant 5 : i32
      %get3A_159 = arith.index_cast %get3A_158 : i32 to index
      %get3A_160 = arith.constant 32 : index
      %get3A_161 = tpu.vector_load %arg15[%get3A_159, %get3A_160] {strides = array<i32>} : memref<16x128xf32, #tpu.memory_space<vmem>>, vector<1x16xf32>,
      %get3A_162 = vector.shape_cast %get3A_161 : vector<1x16xf32> to vector<16xf32>
      %sub3A_163 = arith.subf %get3A_157, %get3A_162 : vector<16xf32>
      %swap3A_164 = arith.constant 6 : i32
      %swap3A_165 = arith.index_cast %swap3A_164 : i32 to index
      %swap3A_166 = arith.constant 32 : index
      %swap3A_167 = tpu.vector_load %arg15[%swap3A_165, %swap3A_166] {strides = array<i32>} : memref<16x128xf32, #tpu.memory_space<vmem>>, vector<1x16xf32>,
      %swap3A_168 = vector.shape_cast %swap3A_167 : vector<1x16xf32> to vector<16xf32>
      %swap3A_169 = vector.shape_cast %sub3A_163 : vector<16xf32> to vector<1x16xf32>
      tpu.vector_store %arg15[%swap3A_165, %swap3A_166], %swap3A_169 {strides = array<i32>} : memref<16x128xf32, #tpu.memory_space<vmem>>, vector<1x16xf32>,
      %get3A_170 = arith.constant 0 : i32
      %get3A_171 = arith.index_cast %get3A_170 : i32 to index
      %get3A_172 = arith.constant 48 : index
      %get3A_173 = tpu.vector_load %arg15[%get3A_171, %get3A_172] {strides = array<i32>} : memref<16x128xf32, #tpu.memory_space<vmem>>, vector<1x16xf32>,
      %get3A_174 = vector.shape_cast %get3A_173 : vector<1x16xf32> to vector<16xf32>
      %get3A_175 = arith.constant 1 : i32
      %get3A_176 = arith.index_cast %get3A_175 : i32 to index
      %get3A_177 = arith.constant 48 : index
      %get3A_178 = tpu.vector_load %arg15[%get3A_176, %get3A_177] {strides = array<i32>} : memref<16x128xf32, #tpu.memory_space<vmem>>, vector<1x16xf32>,
      %get3A_179 = vector.shape_cast %get3A_178 : vector<1x16xf32> to vector<16xf32>
      %get3A_180 = arith.constant 2 : i32
      %get3A_181 = arith.index_cast %get3A_180 : i32 to index
      %get3A_182 = arith.constant 48 : index
      %get3A_183 = tpu.vector_load %arg15[%get3A_181, %get3A_182] {strides = array<i32>} : memref<16x128xf32, #tpu.memory_space<vmem>>, vector<1x16xf32>,
      %get3A_184 = vector.shape_cast %get3A_183 : vector<1x16xf32> to vector<16xf32>
      %sub3A_185 = arith.subf %get3A_179, %get3A_184 : vector<16xf32>
      %mul3A_186 = arith.mulf %get3A_174, %sub3A_185 : vector<16xf32>
      %add3A_187 = arith.addf %add3A_152, %mul3A_186 : vector<16xf32>
      %get3A_188 = arith.constant 4 : i32
      %get3A_189 = arith.index_cast %get3A_188 : i32 to index
      %get3A_190 = arith.constant 48 : index
      %get3A_191 = tpu.vector_load %arg15[%get3A_189, %get3A_190] {strides = array<i32>} : memref<16x128xf32, #tpu.memory_space<vmem>>, vector<1x16xf32>,
      %get3A_192 = vector.shape_cast %get3A_191 : vector<1x16xf32> to vector<16xf32>
      %get3A_193 = arith.constant 5 : i32
      %get3A_194 = arith.index_cast %get3A_193 : i32 to index
      %get3A_195 = arith.constant 48 : index
      %get3A_196 = tpu.vector_load %arg15[%get3A_194, %get3A_195] {strides = array<i32>} : memref<16x128xf32, #tpu.memory_space<vmem>>, vector<1x16xf32>,
      %get3A_197 = vector.shape_cast %get3A_196 : vector<1x16xf32> to vector<16xf32>
      %sub3A_198 = arith.subf %get3A_192, %get3A_197 : vector<16xf32>
      %swap3A_199 = arith.constant 6 : i32
      %swap3A_200 = arith.index_cast %swap3A_199 : i32 to index
      %swap3A_201 = arith.constant 48 : index
      %swap3A_202 = tpu.vector_load %arg15[%swap3A_200, %swap3A_201] {strides = array<i32>} : memref<16x128xf32, #tpu.memory_space<vmem>>, vector<1x16xf32>,
      %swap3A_203 = vector.shape_cast %swap3A_202 : vector<1x16xf32> to vector<16xf32>
      %swap3A_204 = vector.shape_cast %sub3A_198 : vector<16xf32> to vector<1x16xf32>
      tpu.vector_store %arg15[%swap3A_200, %swap3A_201], %swap3A_204 {strides = array<i32>} : memref<16x128xf32, #tpu.memory_space<vmem>>, vector<1x16xf32>,
      %get3A_205 = arith.constant 0 : i32
      %get3A_206 = arith.index_cast %get3A_205 : i32 to index
      %get3A_207 = arith.constant 64 : index
      %get3A_208 = tpu.vector_load %arg15[%get3A_206, %get3A_207] {strides = array<i32>} : memref<16x128xf32, #tpu.memory_space<vmem>>, vector<1x16xf32>,
      %get3A_209 = vector.shape_cast %get3A_208 : vector<1x16xf32> to vector<16xf32>
      %get3A_210 = arith.constant 1 : i32
      %get3A_211 = arith.index_cast %get3A_210 : i32 to index
      %get3A_212 = arith.constant 64 : index
      %get3A_213 = tpu.vector_load %arg15[%get3A_211, %get3A_212] {strides = array<i32>} : memref<16x128xf32, #tpu.memory_space<vmem>>, vector<1x16xf32>,
      %get3A_214 = vector.shape_cast %get3A_213 : vector<1x16xf32> to vector<16xf32>
      %get3A_215 = arith.constant 2 : i32
      %get3A_216 = arith.index_cast %get3A_215 : i32 to index
      %get3A_217 = arith.constant 64 : index
      %get3A_218 = tpu.vector_load %arg15[%get3A_216, %get3A_217] {strides = array<i32>} : memref<16x128xf32, #tpu.memory_space<vmem>>, vector<1x16xf32>,
      %get3A_219 = vector.shape_cast %get3A_218 : vector<1x16xf32> to vector<16xf32>
      %sub3A_220 = arith.subf %get3A_214, %get3A_219 : vector<16xf32>
      %mul3A_221 = arith.mulf %get3A_209, %sub3A_220 : vector<16xf32>
      %add3A_222 = arith.addf %add3A_187, %mul3A_221 : vector<16xf32>
      %get3A_223 = arith.constant 4 : i32
      %get3A_224 = arith.index_cast %get3A_223 : i32 to index
      %get3A_225 = arith.constant 64 : index
      %get3A_226 = tpu.vector_load %arg15[%get3A_224, %get3A_225] {strides = array<i32>} : memref<16x128xf32, #tpu.memory_space<vmem>>, vector<1x16xf32>,
      %get3A_227 = vector.shape_cast %get3A_226 : vector<1x16xf32> to vector<16xf32>
      %get3A_228 = arith.constant 5 : i32
      %get3A_229 = arith.index_cast %get3A_228 : i32 to index
      %get3A_230 = arith.constant 64 : index
      %get3A_231 = tpu.vector_load %arg15[%get3A_229, %get3A_230] {strides = array<i32>} : memref<16x128xf32, #tpu.memory_space<vmem>>, vector<1x16xf32>,
      %get3A_232 = vector.shape_cast %get3A_231 : vector<1x16xf32> to vector<16xf32>
      %sub3A_233 = arith.subf %get3A_227, %get3A_232 : vector<16xf32>
      %swap3A_234 = arith.constant 6 : i32
      %swap3A_235 = arith.index_cast %swap3A_234 : i32 to index
      %swap3A_236 = arith.constant 64 : index
      %swap3A_237 = tpu.vector_load %arg15[%swap3A_235, %swap3A_236] {strides = array<i32>} : memref<16x128xf32, #tpu.memory_space<vmem>>, vector<1x16xf32>,
      %swap3A_238 = vector.shape_cast %swap3A_237 : vector<1x16xf32> to vector<16xf32>
      %swap3A_239 = vector.shape_cast %sub3A_233 : vector<16xf32> to vector<1x16xf32>
      tpu.vector_store %arg15[%swap3A_235, %swap3A_236], %swap3A_239 {strides = array<i32>} : memref<16x128xf32, #tpu.memory_space<vmem>>, vector<1x16xf32>,
      %get3A_240 = arith.constant 0 : i32
      %get3A_241 = arith.index_cast %get3A_240 : i32 to index
      %get3A_242 = arith.constant 80 : index
      %get3A_243 = tpu.vector_load %arg15[%get3A_241, %get3A_242] {strides = array<i32>} : memref<16x128xf32, #tpu.memory_space<vmem>>, vector<1x16xf32>,
      %get3A_244 = vector.shape_cast %get3A_243 : vector<1x16xf32> to vector<16xf32>
      %get3A_245 = arith.constant 1 : i32
      %get3A_246 = arith.index_cast %get3A_245 : i32 to index
      %get3A_247 = arith.constant 80 : index
      %get3A_248 = tpu.vector_load %arg15[%get3A_246, %get3A_247] {strides = array<i32>} : memref<16x128xf32, #tpu.memory_space<vmem>>, vector<1x16xf32>,
      %get3A_249 = vector.shape_cast %get3A_248 : vector<1x16xf32> to vector<16xf32>
      %get3A_250 = arith.constant 2 : i32
      %get3A_251 = arith.index_cast %get3A_250 : i32 to index
      %get3A_252 = arith.constant 80 : index
      %get3A_253 = tpu.vector_load %arg15[%get3A_251, %get3A_252] {strides = array<i32>} : memref<16x128xf32, #tpu.memory_space<vmem>>, vector<1x16xf32>,
      %get3A_254 = vector.shape_cast %get3A_253 : vector<1x16xf32> to vector<16xf32>
      %sub3A_255 = arith.subf %get3A_249, %get3A_254 : vector<16xf32>
      %mul3A_256 = arith.mulf %get3A_244, %sub3A_255 : vector<16xf32>
      %add3A_257 = arith.addf %add3A_222, %mul3A_256 : vector<16xf32>
      %get3A_258 = arith.constant 4 : i32
      %get3A_259 = arith.index_cast %get3A_258 : i32 to index
      %get3A_260 = arith.constant 80 : index
      %get3A_261 = tpu.vector_load %arg15[%get3A_259, %get3A_260] {strides = array<i32>} : memref<16x128xf32, #tpu.memory_space<vmem>>, vector<1x16xf32>,
      %get3A_262 = vector.shape_cast %get3A_261 : vector<1x16xf32> to vector<16xf32>
      %get3A_263 = arith.constant 5 : i32
      %get3A_264 = arith.index_cast %get3A_263 : i32 to index
      %get3A_265 = arith.constant 80 : index
      %get3A_266 = tpu.vector_load %arg15[%get3A_264, %get3A_265] {strides = array<i32>} : memref<16x128xf32, #tpu.memory_space<vmem>>, vector<1x16xf32>,
      %get3A_267 = vector.shape_cast %get3A_266 : vector<1x16xf32> to vector<16xf32>
      %sub3A_268 = arith.subf %get3A_262, %get3A_267 : vector<16xf32>
      %swap3A_269 = arith.constant 6 : i32
      %swap3A_270 = arith.index_cast %swap3A_269 : i32 to index
      %swap3A_271 = arith.constant 80 : index
      %swap3A_272 = tpu.vector_load %arg15[%swap3A_270, %swap3A_271] {strides = array<i32>} : memref<16x128xf32, #tpu.memory_space<vmem>>, vector<1x16xf32>,
      %swap3A_273 = vector.shape_cast %swap3A_272 : vector<1x16xf32> to vector<16xf32>
      %swap3A_274 = vector.shape_cast %sub3A_268 : vector<16xf32> to vector<1x16xf32>
      tpu.vector_store %arg15[%swap3A_270, %swap3A_271], %swap3A_274 {strides = array<i32>} : memref<16x128xf32, #tpu.memory_space<vmem>>, vector<1x16xf32>,
      %get3A_275 = arith.constant 0 : i32
      %get3A_276 = arith.index_cast %get3A_275 : i32 to index
      %get3A_277 = arith.constant 96 : index
      %get3A_278 = tpu.vector_load %arg15[%get3A_276, %get3A_277] {strides = array<i32>} : memref<16x128xf32, #tpu.memory_space<vmem>>, vector<1x16xf32>,
      %get3A_279 = vector.shape_cast %get3A_278 : vector<1x16xf32> to vector<16xf32>
      %get3A_280 = arith.constant 1 : i32
      %get3A_281 = arith.index_cast %get3A_280 : i32 to index
      %get3A_282 = arith.constant 96 : index
      %get3A_283 = tpu.vector_load %arg15[%get3A_281, %get3A_282] {strides = array<i32>} : memref<16x128xf32, #tpu.memory_space<vmem>>, vector<1x16xf32>,
      %get3A_284 = vector.shape_cast %get3A_283 : vector<1x16xf32> to vector<16xf32>
      %get3A_285 = arith.constant 2 : i32
      %get3A_286 = arith.index_cast %get3A_285 : i32 to index
      %get3A_287 = arith.constant 96 : index
      %get3A_288 = tpu.vector_load %arg15[%get3A_286, %get3A_287] {strides = array<i32>} : memref<16x128xf32, #tpu.memory_space<vmem>>, vector<1x16xf32>,
      %get3A_289 = vector.shape_cast %get3A_288 : vector<1x16xf32> to vector<16xf32>
      %sub3A_290 = arith.subf %get3A_284, %get3A_289 : vector<16xf32>
      %mul3A_291 = arith.mulf %get3A_279, %sub3A_290 : vector<16xf32>
      %add3A_292 = arith.addf %add3A_257, %mul3A_291 : vector<16xf32>
      %get3A_293 = arith.constant 4 : i32
      %get3A_294 = arith.index_cast %get3A_293 : i32 to index
      %get3A_295 = arith.constant 96 : index
      %get3A_296 = tpu.vector_load %arg15[%get3A_294, %get3A_295] {strides = array<i32>} : memref<16x128xf32, #tpu.memory_space<vmem>>, vector<1x16xf32>,
      %get3A_297 = vector.shape_cast %get3A_296 : vector<1x16xf32> to vector<16xf32>
      %get3A_298 = arith.constant 5 : i32
      %get3A_299 = arith.index_cast %get3A_298 : i32 to index
      %get3A_300 = arith.constant 96 : index
      %get3A_301 = tpu.vector_load %arg15[%get3A_299, %get3A_300] {strides = array<i32>} : memref<16x128xf32, #tpu.memory_space<vmem>>, vector<1x16xf32>,
      %get3A_302 = vector.shape_cast %get3A_301 : vector<1x16xf32> to vector<16xf32>
      %sub3A_303 = arith.subf %get3A_297, %get3A_302 : vector<16xf32>
      %swap3A_304 = arith.constant 6 : i32
      %swap3A_305 = arith.index_cast %swap3A_304 : i32 to index
      %swap3A_306 = arith.constant 96 : index
      %swap3A_307 = tpu.vector_load %arg15[%swap3A_305, %swap3A_306] {strides = array<i32>} : memref<16x128xf32, #tpu.memory_space<vmem>>, vector<1x16xf32>,
      %swap3A_308 = vector.shape_cast %swap3A_307 : vector<1x16xf32> to vector<16xf32>
      %swap3A_309 = vector.shape_cast %sub3A_303 : vector<16xf32> to vector<1x16xf32>
      tpu.vector_store %arg15[%swap3A_305, %swap3A_306], %swap3A_309 {strides = array<i32>} : memref<16x128xf32, #tpu.memory_space<vmem>>, vector<1x16xf32>,
      %get3A_310 = arith.constant 0 : i32
      %get3A_311 = arith.index_cast %get3A_310 : i32 to index
      %get3A_312 = arith.constant 112 : index
      %get3A_313 = tpu.vector_load %arg15[%get3A_311, %get3A_312] {strides = array<i32>} : memref<16x128xf32, #tpu.memory_space<vmem>>, vector<1x16xf32>,
      %get3A_314 = vector.shape_cast %get3A_313 : vector<1x16xf32> to vector<16xf32>
      %get3A_315 = arith.constant 1 : i32
      %get3A_316 = arith.index_cast %get3A_315 : i32 to index
      %get3A_317 = arith.constant 112 : index
      %get3A_318 = tpu.vector_load %arg15[%get3A_316, %get3A_317] {strides = array<i32>} : memref<16x128xf32, #tpu.memory_space<vmem>>, vector<1x16xf32>,
      %get3A_319 = vector.shape_cast %get3A_318 : vector<1x16xf32> to vector<16xf32>
      %get3A_320 = arith.constant 2 : i32
      %get3A_321 = arith.index_cast %get3A_320 : i32 to index
      %get3A_322 = arith.constant 112 : index
      %get3A_323 = tpu.vector_load %arg15[%get3A_321, %get3A_322] {strides = array<i32>} : memref<16x128xf32, #tpu.memory_space<vmem>>, vector<1x16xf32>,
      %get3A_324 = vector.shape_cast %get3A_323 : vector<1x16xf32> to vector<16xf32>
      %sub3A_325 = arith.subf %get3A_319, %get3A_324 : vector<16xf32>
      %mul3A_326 = arith.mulf %get3A_314, %sub3A_325 : vector<16xf32>
      %add3A_327 = arith.addf %add3A_292, %mul3A_326 : vector<16xf32>
      %get3A_328 = arith.constant 4 : i32
      %get3A_329 = arith.index_cast %get3A_328 : i32 to index
      %get3A_330 = arith.constant 112 : index
      %get3A_331 = tpu.vector_load %arg15[%get3A_329, %get3A_330] {strides = array<i32>} : memref<16x128xf32, #tpu.memory_space<vmem>>, vector<1x16xf32>,
      %get3A_332 = vector.shape_cast %get3A_331 : vector<1x16xf32> to vector<16xf32>
      %get3A_333 = arith.constant 5 : i32
      %get3A_334 = arith.index_cast %get3A_333 : i32 to index
      %get3A_335 = arith.constant 112 : index
      %get3A_336 = tpu.vector_load %arg15[%get3A_334, %get3A_335] {strides = array<i32>} : memref<16x128xf32, #tpu.memory_space<vmem>>, vector<1x16xf32>,
      %get3A_337 = vector.shape_cast %get3A_336 : vector<1x16xf32> to vector<16xf32>
      %sub3A_338 = arith.subf %get3A_332, %get3A_337 : vector<16xf32>
      %swap3A_339 = arith.constant 6 : i32
      %swap3A_340 = arith.index_cast %swap3A_339 : i32 to index
      %swap3A_341 = arith.constant 112 : index
      %swap3A_342 = tpu.vector_load %arg15[%swap3A_340, %swap3A_341] {strides = array<i32>} : memref<16x128xf32, #tpu.memory_space<vmem>>, vector<1x16xf32>,
      %swap3A_343 = vector.shape_cast %swap3A_342 : vector<1x16xf32> to vector<16xf32>
      %swap3A_344 = vector.shape_cast %sub3A_338 : vector<16xf32> to vector<1x16xf32>
      tpu.vector_store %arg15[%swap3A_340, %swap3A_341], %swap3A_344 {strides = array<i32>} : memref<16x128xf32, #tpu.memory_space<vmem>>, vector<1x16xf32>,
      %swap3A_345 = arith.constant 3 : i32
      %swap3A_346 = arith.index_cast %swap3A_345 : i32 to index
      %swap3A_347 = arith.constant 0 : index
      %swap3A_348 = tpu.vector_load %arg15[%swap3A_346, %swap3A_347] {strides = array<i32>} : memref<16x128xf32, #tpu.memory_space<vmem>>, vector<1x16xf32>,
      %swap3A_349 = vector.shape_cast %swap3A_348 : vector<1x16xf32> to vector<16xf32>
      %swap3A_350 = vector.shape_cast %add3A_327 : vector<16xf32> to vector<1x16xf32>
      tpu.vector_store %arg15[%swap3A_346, %swap3A_347], %swap3A_350 {strides = array<i32>} : memref<16x128xf32, #tpu.memory_space<vmem>>, vector<1x16xf32>,
      %run_scoped3A = arith.constant 3 : i32
      %run_scoped3A_351 = arith.constant 13 : i32
      "tpu.region"() ({
        %run_scoped3A_352 = tpu.sem_alloc : memref<!tpu.dma_semaphore, #tpu.memory_space<semaphore_mem>>
        %dma_start3A_353 = arith.constant 0 : i32
        %dma_start3A_354 = tpu.memref_slice %arg15[%run_scoped3A, %dma_start3A_353] : memref<16x128xf32, #tpu.memory_space<vmem>> -> memref<1x16xf32, #tpu.memory_space<vmem>>
        %dma_start3A_355 = tpu.memref_squeeze %dma_start3A_354 : memref<1x16xf32, #tpu.memory_space<vmem>> -> memref<16xf32, #tpu.memory_space<vmem>>
        %dma_start3A_356 = arith.constant 0 : i32
        %dma_start3A_357 = tpu.memref_slice %arg16[%run_scoped3A_351, %dma_start3A_356] : memref<15x128xf32, #tpu.memory_space<vmem_shared>> -> memref<1x16xf32, #tpu.memory_space<vmem_shared>>
        %dma_start3A_358 = tpu.memref_squeeze %dma_start3A_357 : memref<1x16xf32, #tpu.memory_space<vmem_shared>> -> memref<16xf32, #tpu.memory_space<vmem_shared>>
        %dma_start3A_359 = arith.constant 0 : i32
        %dma_start3A_360 = tpu.memref_slice %arg16[%run_scoped3A_351, %dma_start3A_359] : memref<15x128xf32, #tpu.memory_space<vmem_shared>> -> memref<1x16xf32, #tpu.memory_space<vmem_shared>>
        %dma_start3A_361 = tpu.memref_squeeze %dma_start3A_360 : memref<1x16xf32, #tpu.memory_space<vmem_shared>> -> memref<16xf32, #tpu.memory_space<vmem_shared>>
        %dma_start3A_362 = arith.constant 0 : i32
        %dma_start3A_363 = tpu.memref_slice %arg15[%run_scoped3A, %dma_start3A_362] : memref<16x128xf32, #tpu.memory_space<vmem>> -> memref<1x16xf32, #tpu.memory_space<vmem>>
        %dma_start3A_364 = tpu.memref_squeeze %dma_start3A_363 : memref<1x16xf32, #tpu.memory_space<vmem>> -> memref<16xf32, #tpu.memory_space<vmem>>
        tpu.enqueue_dma source(%dma_start3A_364 : memref<16xf32, #tpu.memory_space<vmem>>) target(%dma_start3A_361 : memref<16xf32, #tpu.memory_space<vmem_shared>>) target_semaphore(%run_scoped3A_352 : memref<!tpu.dma_semaphore, #tpu.memory_space<semaphore_mem>>)
        %dma_wait3A_365 = arith.constant 0 : i32
        %dma_wait3A_366 = tpu.memref_slice %arg15[%run_scoped3A, %dma_wait3A_365] : memref<16x128xf32, #tpu.memory_space<vmem>> -> memref<1x16xf32, #tpu.memory_space<vmem>>
        %dma_wait3A_367 = tpu.memref_squeeze %dma_wait3A_366 : memref<1x16xf32, #tpu.memory_space<vmem>> -> memref<16xf32, #tpu.memory_space<vmem>>
        %dma_wait3A_368 = arith.constant 0 : i32
        %dma_wait3A_369 = tpu.memref_slice %arg16[%run_scoped3A_351, %dma_wait3A_368] : memref<15x128xf32, #tpu.memory_space<vmem_shared>> -> memref<1x16xf32, #tpu.memory_space<vmem_shared>>
        %dma_wait3A_370 = tpu.memref_squeeze %dma_wait3A_369 : memref<1x16xf32, #tpu.memory_space<vmem_shared>> -> memref<16xf32, #tpu.memory_space<vmem_shared>>
        %dma_wait3A_371 = arith.constant 0 : i32
        %dma_wait3A_372 = tpu.memref_slice %arg16[%run_scoped3A_351, %dma_wait3A_371] : memref<15x128xf32, #tpu.memory_space<vmem_shared>> -> memref<1x16xf32, #tpu.memory_space<vmem_shared>>
        %dma_wait3A_373 = tpu.memref_squeeze %dma_wait3A_372 : memref<1x16xf32, #tpu.memory_space<vmem_shared>> -> memref<16xf32, #tpu.memory_space<vmem_shared>>
        %dma_wait3A_374 = arith.constant 0 : i32
        %dma_wait3A_375 = tpu.memref_slice %arg15[%run_scoped3A, %dma_wait3A_374] : memref<16x128xf32, #tpu.memory_space<vmem>> -> memref<1x16xf32, #tpu.memory_space<vmem>>
        %dma_wait3A_376 = tpu.memref_squeeze %dma_wait3A_375 : memref<1x16xf32, #tpu.memory_space<vmem>> -> memref<16xf32, #tpu.memory_space<vmem>>
        tpu.wait_dma2 semaphore(%run_scoped3A_352 : memref<!tpu.dma_semaphore, #tpu.memory_space<semaphore_mem>>) src(%dma_wait3A_376 : memref<16xf32, #tpu.memory_space<vmem>>) dst(%dma_wait3A_373 : memref<16xf32, #tpu.memory_space<vmem_shared>>)
        tpu.yield
      }) : () -> ()
      "tpu.region"() ({
        %run_scoped3A_352 = tpu.sem_alloc : memref<!tpu.dma_semaphore, #tpu.memory_space<semaphore_mem>>
        %dma_start3A_353 = arith.constant 6 : i32
        %dma_start3A_354 = arith.constant 0 : i32
        %dma_start3A_355 = tpu.memref_slice %arg15[%dma_start3A_353, %dma_start3A_354] : memref<16x128xf32, #tpu.memory_space<vmem>> -> memref<1x128xf32, #tpu.memory_space<vmem>>
        %dma_start3A_356 = arith.constant 14 : i32
        %dma_start3A_357 = arith.constant 0 : i32
        %dma_start3A_358 = tpu.memref_slice %arg16[%dma_start3A_356, %dma_start3A_357] : memref<15x128xf32, #tpu.memory_space<vmem_shared>> -> memref<1x128xf32, #tpu.memory_space<vmem_shared>>
        %dma_start3A_359 = arith.constant 14 : i32
        %dma_start3A_360 = arith.constant 0 : i32
        %dma_start3A_361 = tpu.memref_slice %arg16[%dma_start3A_359, %dma_start3A_360] : memref<15x128xf32, #tpu.memory_space<vmem_shared>> -> memref<1x128xf32, #tpu.memory_space<vmem_shared>>
        %dma_start3A_362 = arith.constant 6 : i32
        %dma_start3A_363 = arith.constant 0 : i32
        %dma_start3A_364 = tpu.memref_slice %arg15[%dma_start3A_362, %dma_start3A_363] : memref<16x128xf32, #tpu.memory_space<vmem>> -> memref<1x128xf32, #tpu.memory_space<vmem>>
        tpu.enqueue_dma source(%dma_start3A_364 : memref<1x128xf32, #tpu.memory_space<vmem>>) target(%dma_start3A_361 : memref<1x128xf32, #tpu.memory_space<vmem_shared>>) target_semaphore(%run_scoped3A_352 : memref<!tpu.dma_semaphore, #tpu.memory_space<semaphore_mem>>)
        %dma_wait3A_365 = arith.constant 6 : i32
        %dma_wait3A_366 = arith.constant 0 : i32
        %dma_wait3A_367 = tpu.memref_slice %arg15[%dma_wait3A_365, %dma_wait3A_366] : memref<16x128xf32, #tpu.memory_space<vmem>> -> memref<1x128xf32, #tpu.memory_space<vmem>>
        %dma_wait3A_368 = arith.constant 14 : i32
        %dma_wait3A_369 = arith.constant 0 : i32
        %dma_wait3A_370 = tpu.memref_slice %arg16[%dma_wait3A_368, %dma_wait3A_369] : memref<15x128xf32, #tpu.memory_space<vmem_shared>> -> memref<1x128xf32, #tpu.memory_space<vmem_shared>>
        %dma_wait3A_371 = arith.constant 14 : i32
        %dma_wait3A_372 = arith.constant 0 : i32
        %dma_wait3A_373 = tpu.memref_slice %arg16[%dma_wait3A_371, %dma_wait3A_372] : memref<15x128xf32, #tpu.memory_space<vmem_shared>> -> memref<1x128xf32, #tpu.memory_space<vmem_shared>>
        %dma_wait3A_374 = arith.constant 6 : i32
        %dma_wait3A_375 = arith.constant 0 : i32
        %dma_wait3A_376 = tpu.memref_slice %arg15[%dma_wait3A_374, %dma_wait3A_375] : memref<16x128xf32, #tpu.memory_space<vmem>> -> memref<1x128xf32, #tpu.memory_space<vmem>>
        tpu.wait_dma2 semaphore(%run_scoped3A_352 : memref<!tpu.dma_semaphore, #tpu.memory_space<semaphore_mem>>) src(%dma_wait3A_376 : memref<1x128xf32, #tpu.memory_space<vmem>>) dst(%dma_wait3A_373 : memref<1x128xf32, #tpu.memory_space<vmem_shared>>)
        tpu.yield
      }) : () -> ()
    } else {
    }
    %barrier3A = arith.constant 0 : index
    tpu.barrier barrier_id(%barrier3A)
    %eq3A_6 = arith.constant 0 : i32
    %eq3A_7 = arith.cmpi eq, %arg1, %eq3A_6 : i32
    %convert_element_type3A_8 = arith.extui %eq3A_7 : i1 to i32
    %cond3A_9 = arith.constant 0 : i32
    %cond3A_10 = arith.cmpi ne, %convert_element_type3A_8, %cond3A_9 : i32
    scf.if %cond3A_10 {
      "tpu.region"() ({
        %run_scoped3A_199 = tpu.sem_alloc : memref<!tpu.dma_semaphore, #tpu.memory_space<semaphore_mem>>
        %dma_start3A = arith.constant 0 : i32
        %dma_start3A_200 = arith.constant 0 : i32
        %dma_start3A_201 = tpu.memref_slice %arg15[%dma_start3A, %dma_start3A_200] : memref<16x128xf32, #tpu.memory_space<vmem>> -> memref<15x128xf32, #tpu.memory_space<vmem>>
        %dma_start3A_202 = arith.constant 0 : i32
        %dma_start3A_203 = arith.constant 0 : i32
        %dma_start3A_204 = tpu.memref_slice %arg15[%dma_start3A_202, %dma_start3A_203] : memref<16x128xf32, #tpu.memory_space<vmem>> -> memref<15x128xf32, #tpu.memory_space<vmem>>
        tpu.enqueue_dma source(%arg16 : memref<15x128xf32, #tpu.memory_space<vmem_shared>>) target(%dma_start3A_204 : memref<15x128xf32, #tpu.memory_space<vmem>>) target_semaphore(%run_scoped3A_199 : memref<!tpu.dma_semaphore, #tpu.memory_space<semaphore_mem>>)
        %dma_wait3A = arith.constant 0 : i32
        %dma_wait3A_205 = arith.constant 0 : i32
        %dma_wait3A_206 = tpu.memref_slice %arg15[%dma_wait3A, %dma_wait3A_205] : memref<16x128xf32, #tpu.memory_space<vmem>> -> memref<15x128xf32, #tpu.memory_space<vmem>>
        %dma_wait3A_207 = arith.constant 0 : i32
        %dma_wait3A_208 = arith.constant 0 : i32
        %dma_wait3A_209 = tpu.memref_slice %arg15[%dma_wait3A_207, %dma_wait3A_208] : memref<16x128xf32, #tpu.memory_space<vmem>> -> memref<15x128xf32, #tpu.memory_space<vmem>>
        tpu.wait_dma2 semaphore(%run_scoped3A_199 : memref<!tpu.dma_semaphore, #tpu.memory_space<semaphore_mem>>) src(%arg16 : memref<15x128xf32, #tpu.memory_space<vmem_shared>>) dst(%dma_wait3A_209 : memref<15x128xf32, #tpu.memory_space<vmem>>)
        tpu.yield
      }) : () -> ()
      %get3A = arith.constant 0 : i32
      %get3A_11 = arith.index_cast %get3A : i32 to index
      %get3A_12 = arith.constant 0 : index
      %get3A_13 = tpu.vector_load %arg15[%get3A_11, %get3A_12] {strides = array<i32>} : memref<16x128xf32, #tpu.memory_space<vmem>>, vector<1x16xf32>,
      %get3A_14 = vector.shape_cast %get3A_13 : vector<1x16xf32> to vector<16xf32>
      %get3A_15 = arith.constant 0 : i32
      %get3A_16 = arith.index_cast %get3A_15 : i32 to index
      %get3A_17 = arith.constant 16 : index
      %get3A_18 = tpu.vector_load %arg15[%get3A_16, %get3A_17] {strides = array<i32>} : memref<16x128xf32, #tpu.memory_space<vmem>>, vector<1x16xf32>,
      %get3A_19 = vector.shape_cast %get3A_18 : vector<1x16xf32> to vector<16xf32>
      %get3A_20 = arith.constant 0 : i32
      %get3A_21 = arith.index_cast %get3A_20 : i32 to index
      %get3A_22 = arith.constant 32 : index
      %get3A_23 = tpu.vector_load %arg15[%get3A_21, %get3A_22] {strides = array<i32>} : memref<16x128xf32, #tpu.memory_space<vmem>>, vector<1x16xf32>,
      %get3A_24 = vector.shape_cast %get3A_23 : vector<1x16xf32> to vector<16xf32>
      %get3A_25 = arith.constant 0 : i32
      %get3A_26 = arith.index_cast %get3A_25 : i32 to index
      %get3A_27 = arith.constant 48 : index
      %get3A_28 = tpu.vector_load %arg15[%get3A_26, %get3A_27] {strides = array<i32>} : memref<16x128xf32, #tpu.memory_space<vmem>>, vector<1x16xf32>,
      %get3A_29 = vector.shape_cast %get3A_28 : vector<1x16xf32> to vector<16xf32>
      %get3A_30 = arith.constant 0 : i32
      %get3A_31 = arith.index_cast %get3A_30 : i32 to index
      %get3A_32 = arith.constant 64 : index
      %get3A_33 = tpu.vector_load %arg15[%get3A_31, %get3A_32] {strides = array<i32>} : memref<16x128xf32, #tpu.memory_space<vmem>>, vector<1x16xf32>,
      %get3A_34 = vector.shape_cast %get3A_33 : vector<1x16xf32> to vector<16xf32>
      %get3A_35 = arith.constant 0 : i32
      %get3A_36 = arith.index_cast %get3A_35 : i32 to index
      %get3A_37 = arith.constant 80 : index
      %get3A_38 = tpu.vector_load %arg15[%get3A_36, %get3A_37] {strides = array<i32>} : memref<16x128xf32, #tpu.memory_space<vmem>>, vector<1x16xf32>,
      %get3A_39 = vector.shape_cast %get3A_38 : vector<1x16xf32> to vector<16xf32>
      %get3A_40 = arith.constant 0 : i32
      %get3A_41 = arith.index_cast %get3A_40 : i32 to index
      %get3A_42 = arith.constant 96 : index
      %get3A_43 = tpu.vector_load %arg15[%get3A_41, %get3A_42] {strides = array<i32>} : memref<16x128xf32, #tpu.memory_space<vmem>>, vector<1x16xf32>,
      %get3A_44 = vector.shape_cast %get3A_43 : vector<1x16xf32> to vector<16xf32>
      %get3A_45 = arith.constant 0 : i32
      %get3A_46 = arith.index_cast %get3A_45 : i32 to index
      %get3A_47 = arith.constant 112 : index
      %get3A_48 = tpu.vector_load %arg15[%get3A_46, %get3A_47] {strides = array<i32>} : memref<16x128xf32, #tpu.memory_space<vmem>>, vector<1x16xf32>,
      %get3A_49 = vector.shape_cast %get3A_48 : vector<1x16xf32> to vector<16xf32>
      %scan3A = arith.constant 1 : i32
      %scan3A_50 = arith.constant 12 : i32
      %scan3A_51 = arith.addi %scan3A, %scan3A_50 : i32
      %scan3A_52 = arith.constant 1 : i32
      %scan3A_53:8 = scf.for %scan3A_199 = %scan3A to %scan3A_51 step %scan3A_52 iter_args(%scan3A_200 = %get3A_14, %scan3A_201 = %get3A_19, %scan3A_202 = %get3A_24, %scan3A_203 = %get3A_29, %scan3A_204 = %get3A_34, %scan3A_205 = %get3A_39, %scan3A_206 = %get3A_44, %scan3A_207 = %get3A_49) -> (vector<16xf32>, vector<16xf32>, vector<16xf32>, vector<16xf32>, vector<16xf32>, vector<16xf32>, vector<16xf32>, vector<16xf32>)  : i32 {
        %get3A_208 = arith.index_cast %scan3A_199 : i32 to index
        %get3A_209 = arith.constant 0 : index
        %get3A_210 = tpu.vector_load %arg15[%get3A_208, %get3A_209] {strides = array<i32>} : memref<16x128xf32, #tpu.memory_space<vmem>>, vector<1x16xf32>,
        %get3A_211 = vector.shape_cast %get3A_210 : vector<1x16xf32> to vector<16xf32>
        %add3A_212 = arith.addf %scan3A_200, %get3A_211 : vector<16xf32>
        %get3A_213 = arith.index_cast %scan3A_199 : i32 to index
        %get3A_214 = arith.constant 16 : index
        %get3A_215 = tpu.vector_load %arg15[%get3A_213, %get3A_214] {strides = array<i32>} : memref<16x128xf32, #tpu.memory_space<vmem>>, vector<1x16xf32>,
        %get3A_216 = vector.shape_cast %get3A_215 : vector<1x16xf32> to vector<16xf32>
        %add3A_217 = arith.addf %scan3A_201, %get3A_216 : vector<16xf32>
        %get3A_218 = arith.index_cast %scan3A_199 : i32 to index
        %get3A_219 = arith.constant 32 : index
        %get3A_220 = tpu.vector_load %arg15[%get3A_218, %get3A_219] {strides = array<i32>} : memref<16x128xf32, #tpu.memory_space<vmem>>, vector<1x16xf32>,
        %get3A_221 = vector.shape_cast %get3A_220 : vector<1x16xf32> to vector<16xf32>
        %add3A_222 = arith.addf %scan3A_202, %get3A_221 : vector<16xf32>
        %get3A_223 = arith.index_cast %scan3A_199 : i32 to index
        %get3A_224 = arith.constant 48 : index
        %get3A_225 = tpu.vector_load %arg15[%get3A_223, %get3A_224] {strides = array<i32>} : memref<16x128xf32, #tpu.memory_space<vmem>>, vector<1x16xf32>,
        %get3A_226 = vector.shape_cast %get3A_225 : vector<1x16xf32> to vector<16xf32>
        %add3A_227 = arith.addf %scan3A_203, %get3A_226 : vector<16xf32>
        %get3A_228 = arith.index_cast %scan3A_199 : i32 to index
        %get3A_229 = arith.constant 64 : index
        %get3A_230 = tpu.vector_load %arg15[%get3A_228, %get3A_229] {strides = array<i32>} : memref<16x128xf32, #tpu.memory_space<vmem>>, vector<1x16xf32>,
        %get3A_231 = vector.shape_cast %get3A_230 : vector<1x16xf32> to vector<16xf32>
        %add3A_232 = arith.addf %scan3A_204, %get3A_231 : vector<16xf32>
        %get3A_233 = arith.index_cast %scan3A_199 : i32 to index
        %get3A_234 = arith.constant 80 : index
        %get3A_235 = tpu.vector_load %arg15[%get3A_233, %get3A_234] {strides = array<i32>} : memref<16x128xf32, #tpu.memory_space<vmem>>, vector<1x16xf32>,
        %get3A_236 = vector.shape_cast %get3A_235 : vector<1x16xf32> to vector<16xf32>
        %add3A_237 = arith.addf %scan3A_205, %get3A_236 : vector<16xf32>
        %get3A_238 = arith.index_cast %scan3A_199 : i32 to index
        %get3A_239 = arith.constant 96 : index
        %get3A_240 = tpu.vector_load %arg15[%get3A_238, %get3A_239] {strides = array<i32>} : memref<16x128xf32, #tpu.memory_space<vmem>>, vector<1x16xf32>,
        %get3A_241 = vector.shape_cast %get3A_240 : vector<1x16xf32> to vector<16xf32>
        %add3A_242 = arith.addf %scan3A_206, %get3A_241 : vector<16xf32>
        %get3A_243 = arith.index_cast %scan3A_199 : i32 to index
        %get3A_244 = arith.constant 112 : index
        %get3A_245 = tpu.vector_load %arg15[%get3A_243, %get3A_244] {strides = array<i32>} : memref<16x128xf32, #tpu.memory_space<vmem>>, vector<1x16xf32>,
        %get3A_246 = vector.shape_cast %get3A_245 : vector<1x16xf32> to vector<16xf32>
        %add3A_247 = arith.addf %scan3A_207, %get3A_246 : vector<16xf32>
        scf.yield %add3A_212, %add3A_217, %add3A_222, %add3A_227, %add3A_232, %add3A_237, %add3A_242, %add3A_247 : vector<16xf32>, vector<16xf32>, vector<16xf32>, vector<16xf32>, vector<16xf32>, vector<16xf32>, vector<16xf32>, vector<16xf32>
      }
      %scan3A_54 = arith.constant 12 : i32
      %get3A_55 = arith.constant 13 : i32
      %get3A_56 = arith.index_cast %get3A_55 : i32 to index
      %get3A_57 = arith.constant 0 : index
      %get3A_58 = tpu.vector_load %arg15[%get3A_56, %get3A_57] {strides = array<i32>} : memref<16x128xf32, #tpu.memory_space<vmem>>, vector<1x16xf32>,
      %get3A_59 = vector.shape_cast %get3A_58 : vector<1x16xf32> to vector<16xf32>
      %get3A_60 = arith.constant 14 : i32
      %get3A_61 = arith.index_cast %get3A_60 : i32 to index
      %get3A_62 = arith.constant 0 : index
      %get3A_63 = tpu.vector_load %arg15[%get3A_61, %get3A_62] {strides = array<i32>} : memref<16x128xf32, #tpu.memory_space<vmem>>, vector<1x16xf32>,
      %get3A_64 = vector.shape_cast %get3A_63 : vector<1x16xf32> to vector<16xf32>
      %mul3A = arith.constant 5.000000e-03 : f32
      %mul3A_65 = vector.broadcast %mul3A : f32 to vector<16xf32>
      %mul3A_66 = arith.mulf %scan3A_53#0, %mul3A_65 : vector<16xf32>
      %mul3A_67 = arith.mulf %get3A_64, %mul3A_66 : vector<16xf32>
      %add3A = arith.addf %get3A_59, %mul3A_67 : vector<16xf32>
      %get3A_68 = arith.constant 14 : i32
      %get3A_69 = arith.index_cast %get3A_68 : i32 to index
      %get3A_70 = arith.constant 16 : index
      %get3A_71 = tpu.vector_load %arg15[%get3A_69, %get3A_70] {strides = array<i32>} : memref<16x128xf32, #tpu.memory_space<vmem>>, vector<1x16xf32>,
      %get3A_72 = vector.shape_cast %get3A_71 : vector<1x16xf32> to vector<16xf32>
      %mul3A_73 = arith.constant 5.000000e-03 : f32
      %mul3A_74 = vector.broadcast %mul3A_73 : f32 to vector<16xf32>
      %mul3A_75 = arith.mulf %scan3A_53#1, %mul3A_74 : vector<16xf32>
      %mul3A_76 = arith.mulf %get3A_72, %mul3A_75 : vector<16xf32>
      %add3A_77 = arith.addf %add3A, %mul3A_76 : vector<16xf32>
      %get3A_78 = arith.constant 14 : i32
      %get3A_79 = arith.index_cast %get3A_78 : i32 to index
      %get3A_80 = arith.constant 32 : index
      %get3A_81 = tpu.vector_load %arg15[%get3A_79, %get3A_80] {strides = array<i32>} : memref<16x128xf32, #tpu.memory_space<vmem>>, vector<1x16xf32>,
      %get3A_82 = vector.shape_cast %get3A_81 : vector<1x16xf32> to vector<16xf32>
      %mul3A_83 = arith.constant 5.000000e-03 : f32
      %mul3A_84 = vector.broadcast %mul3A_83 : f32 to vector<16xf32>
      %mul3A_85 = arith.mulf %scan3A_53#2, %mul3A_84 : vector<16xf32>
      %mul3A_86 = arith.mulf %get3A_82, %mul3A_85 : vector<16xf32>
      %add3A_87 = arith.addf %add3A_77, %mul3A_86 : vector<16xf32>
      %get3A_88 = arith.constant 14 : i32
      %get3A_89 = arith.index_cast %get3A_88 : i32 to index
      %get3A_90 = arith.constant 48 : index
      %get3A_91 = tpu.vector_load %arg15[%get3A_89, %get3A_90] {strides = array<i32>} : memref<16x128xf32, #tpu.memory_space<vmem>>, vector<1x16xf32>,
      %get3A_92 = vector.shape_cast %get3A_91 : vector<1x16xf32> to vector<16xf32>
      %mul3A_93 = arith.constant 5.000000e-03 : f32
      %mul3A_94 = vector.broadcast %mul3A_93 : f32 to vector<16xf32>
      %mul3A_95 = arith.mulf %scan3A_53#3, %mul3A_94 : vector<16xf32>
      %mul3A_96 = arith.mulf %get3A_92, %mul3A_95 : vector<16xf32>
      %add3A_97 = arith.addf %add3A_87, %mul3A_96 : vector<16xf32>
      %get3A_98 = arith.constant 14 : i32
      %get3A_99 = arith.index_cast %get3A_98 : i32 to index
      %get3A_100 = arith.constant 64 : index
      %get3A_101 = tpu.vector_load %arg15[%get3A_99, %get3A_100] {strides = array<i32>} : memref<16x128xf32, #tpu.memory_space<vmem>>, vector<1x16xf32>,
      %get3A_102 = vector.shape_cast %get3A_101 : vector<1x16xf32> to vector<16xf32>
      %mul3A_103 = arith.constant 5.000000e-03 : f32
      %mul3A_104 = vector.broadcast %mul3A_103 : f32 to vector<16xf32>
      %mul3A_105 = arith.mulf %scan3A_53#4, %mul3A_104 : vector<16xf32>
      %mul3A_106 = arith.mulf %get3A_102, %mul3A_105 : vector<16xf32>
      %add3A_107 = arith.addf %add3A_97, %mul3A_106 : vector<16xf32>
      %get3A_108 = arith.constant 14 : i32
      %get3A_109 = arith.index_cast %get3A_108 : i32 to index
      %get3A_110 = arith.constant 80 : index
      %get3A_111 = tpu.vector_load %arg15[%get3A_109, %get3A_110] {strides = array<i32>} : memref<16x128xf32, #tpu.memory_space<vmem>>, vector<1x16xf32>,
      %get3A_112 = vector.shape_cast %get3A_111 : vector<1x16xf32> to vector<16xf32>
      %mul3A_113 = arith.constant 5.000000e-03 : f32
      %mul3A_114 = vector.broadcast %mul3A_113 : f32 to vector<16xf32>
      %mul3A_115 = arith.mulf %scan3A_53#5, %mul3A_114 : vector<16xf32>
      %mul3A_116 = arith.mulf %get3A_112, %mul3A_115 : vector<16xf32>
      %add3A_117 = arith.addf %add3A_107, %mul3A_116 : vector<16xf32>
      %get3A_118 = arith.constant 14 : i32
      %get3A_119 = arith.index_cast %get3A_118 : i32 to index
      %get3A_120 = arith.constant 96 : index
      %get3A_121 = tpu.vector_load %arg15[%get3A_119, %get3A_120] {strides = array<i32>} : memref<16x128xf32, #tpu.memory_space<vmem>>, vector<1x16xf32>,
      %get3A_122 = vector.shape_cast %get3A_121 : vector<1x16xf32> to vector<16xf32>
      %mul3A_123 = arith.constant 5.000000e-03 : f32
      %mul3A_124 = vector.broadcast %mul3A_123 : f32 to vector<16xf32>
      %mul3A_125 = arith.mulf %scan3A_53#6, %mul3A_124 : vector<16xf32>
      %mul3A_126 = arith.mulf %get3A_122, %mul3A_125 : vector<16xf32>
      %add3A_127 = arith.addf %add3A_117, %mul3A_126 : vector<16xf32>
      %get3A_128 = arith.constant 14 : i32
      %get3A_129 = arith.index_cast %get3A_128 : i32 to index
      %get3A_130 = arith.constant 112 : index
      %get3A_131 = tpu.vector_load %arg15[%get3A_129, %get3A_130] {strides = array<i32>} : memref<16x128xf32, #tpu.memory_space<vmem>>, vector<1x16xf32>,
      %get3A_132 = vector.shape_cast %get3A_131 : vector<1x16xf32> to vector<16xf32>
      %mul3A_133 = arith.constant 5.000000e-03 : f32
      %mul3A_134 = vector.broadcast %mul3A_133 : f32 to vector<16xf32>
      %mul3A_135 = arith.mulf %scan3A_53#7, %mul3A_134 : vector<16xf32>
      %mul3A_136 = arith.mulf %get3A_132, %mul3A_135 : vector<16xf32>
      %add3A_137 = arith.addf %add3A_127, %mul3A_136 : vector<16xf32>
      %iota3A = tpu.iota {dimensions = array<i32: 0>} : vector<16xi32>
      %xor3A = arith.constant 8 : i32
      %xor3A_138 = vector.broadcast %xor3A : i32 to vector<16xi32>
      %xor3A_139 = arith.xori %iota3A, %xor3A_138 : vector<16xi32>
      %lt3A = arith.constant 0 : i32
      %lt3A_140 = vector.broadcast %lt3A : i32 to vector<16xi32>
      %lt3A_141 = arith.cmpi slt, %xor3A_139, %lt3A_140 : vector<16xi32>
      %add3A_142 = arith.constant 16 : i32
      %add3A_143 = vector.broadcast %add3A_142 : i32 to vector<16xi32>
      %add3A_144 = arith.addi %xor3A_139, %add3A_143 : vector<16xi32>
      %select_n3A = arith.select %lt3A_141, %add3A_144, %xor3A_139 : vector<16xi1>, vector<16xi32>
      %broadcast_in_dim3A = vector.shape_cast %select_n3A : vector<16xi32> to vector<16x1xi32>
      %gather3A = vector.shape_cast %broadcast_in_dim3A : vector<16x1xi32> to vector<16xi32>
      %gather3A_145 = tpu.dynamic_gather %add3A_137[%gather3A] in [0] : vector<16xf32>, vector<16xi32> -> vector<16xf32>
      %add3A_146 = arith.addf %add3A_137, %gather3A_145 : vector<16xf32>
      %xor3A_147 = arith.constant 4 : i32
      %xor3A_148 = vector.broadcast %xor3A_147 : i32 to vector<16xi32>
      %xor3A_149 = arith.xori %iota3A, %xor3A_148 : vector<16xi32>
      %lt3A_150 = arith.constant 0 : i32
      %lt3A_151 = vector.broadcast %lt3A_150 : i32 to vector<16xi32>
      %lt3A_152 = arith.cmpi slt, %xor3A_149, %lt3A_151 : vector<16xi32>
      %add3A_153 = arith.constant 16 : i32
      %add3A_154 = vector.broadcast %add3A_153 : i32 to vector<16xi32>
      %add3A_155 = arith.addi %xor3A_149, %add3A_154 : vector<16xi32>
      %select_n3A_156 = arith.select %lt3A_152, %add3A_155, %xor3A_149 : vector<16xi1>, vector<16xi32>
      %broadcast_in_dim3A_157 = vector.shape_cast %select_n3A_156 : vector<16xi32> to vector<16x1xi32>
      %gather3A_158 = vector.shape_cast %broadcast_in_dim3A_157 : vector<16x1xi32> to vector<16xi32>
      %gather3A_159 = tpu.dynamic_gather %add3A_146[%gather3A_158] in [0] : vector<16xf32>, vector<16xi32> -> vector<16xf32>
      %add3A_160 = arith.addf %add3A_146, %gather3A_159 : vector<16xf32>
      %xor3A_161 = arith.constant 2 : i32
      %xor3A_162 = vector.broadcast %xor3A_161 : i32 to vector<16xi32>
      %xor3A_163 = arith.xori %iota3A, %xor3A_162 : vector<16xi32>
      %lt3A_164 = arith.constant 0 : i32
      %lt3A_165 = vector.broadcast %lt3A_164 : i32 to vector<16xi32>
      %lt3A_166 = arith.cmpi slt, %xor3A_163, %lt3A_165 : vector<16xi32>
      %add3A_167 = arith.constant 16 : i32
      %add3A_168 = vector.broadcast %add3A_167 : i32 to vector<16xi32>
      %add3A_169 = arith.addi %xor3A_163, %add3A_168 : vector<16xi32>
      %select_n3A_170 = arith.select %lt3A_166, %add3A_169, %xor3A_163 : vector<16xi1>, vector<16xi32>
      %broadcast_in_dim3A_171 = vector.shape_cast %select_n3A_170 : vector<16xi32> to vector<16x1xi32>
      %gather3A_172 = vector.shape_cast %broadcast_in_dim3A_171 : vector<16x1xi32> to vector<16xi32>
      %gather3A_173 = tpu.dynamic_gather %add3A_160[%gather3A_172] in [0] : vector<16xf32>, vector<16xi32> -> vector<16xf32>
      %add3A_174 = arith.addf %add3A_160, %gather3A_173 : vector<16xf32>
      %xor3A_175 = arith.constant 1 : i32
      %xor3A_176 = vector.broadcast %xor3A_175 : i32 to vector<16xi32>
      %xor3A_177 = arith.xori %iota3A, %xor3A_176 : vector<16xi32>
      %lt3A_178 = arith.constant 0 : i32
      %lt3A_179 = vector.broadcast %lt3A_178 : i32 to vector<16xi32>
      %lt3A_180 = arith.cmpi slt, %xor3A_177, %lt3A_179 : vector<16xi32>
      %add3A_181 = arith.constant 16 : i32
      %add3A_182 = vector.broadcast %add3A_181 : i32 to vector<16xi32>
      %add3A_183 = arith.addi %xor3A_177, %add3A_182 : vector<16xi32>
      %select_n3A_184 = arith.select %lt3A_180, %add3A_183, %xor3A_177 : vector<16xi1>, vector<16xi32>
      %broadcast_in_dim3A_185 = vector.shape_cast %select_n3A_184 : vector<16xi32> to vector<16x1xi32>
      %gather3A_186 = vector.shape_cast %broadcast_in_dim3A_185 : vector<16x1xi32> to vector<16xi32>
      %gather3A_187 = tpu.dynamic_gather %add3A_174[%gather3A_186] in [0] : vector<16xf32>, vector<16xi32> -> vector<16xf32>
      %add3A_188 = arith.addf %add3A_174, %gather3A_187 : vector<16xf32>
      %exp3A = math.exp %add3A_188 : vector<16xf32>
      %add3A_189 = arith.constant 1.000000e+00 : f32
      %add3A_190 = vector.broadcast %add3A_189 : f32 to vector<16xf32>
      %add3A_191 = arith.addf %add3A_190, %exp3A : vector<16xf32>
      %div3A = arith.constant 1.000000e+00 : f32
      %div3A_192 = vector.broadcast %div3A : f32 to vector<16xf32>
      %div3A_193 = arith.divf %div3A_192, %add3A_191 : vector<16xf32>
      %swap3A = arith.constant 15 : i32
      %swap3A_194 = arith.index_cast %swap3A : i32 to index
      %swap3A_195 = arith.constant 0 : index
      %swap3A_196 = tpu.vector_load %arg15[%swap3A_194, %swap3A_195] {strides = array<i32>} : memref<16x128xf32, #tpu.memory_space<vmem>>, vector<1x16xf32>,
      %swap3A_197 = vector.shape_cast %swap3A_196 : vector<1x16xf32> to vector<16xf32>
      %swap3A_198 = vector.shape_cast %div3A_193 : vector<16xf32> to vector<1x16xf32>
      tpu.vector_store %arg15[%swap3A_194, %swap3A_195], %swap3A_198 {strides = array<i32>} : memref<16x128xf32, #tpu.memory_space<vmem>>, vector<1x16xf32>,
      %run_scoped3A = arith.constant 15 : i32
      "tpu.region"() ({
        %run_scoped3A_199 = tpu.sem_alloc : memref<!tpu.dma_semaphore, #tpu.memory_space<semaphore_mem>>
        %dma_start3A = arith.constant 0 : i32
        %dma_start3A_200 = tpu.memref_slice %arg15[%run_scoped3A, %dma_start3A] : memref<16x128xf32, #tpu.memory_space<vmem>> -> memref<1x16xf32, #tpu.memory_space<vmem>>
        %dma_start3A_201 = tpu.memref_squeeze %dma_start3A_200 : memref<1x16xf32, #tpu.memory_space<vmem>> -> memref<16xf32, #tpu.memory_space<vmem>>
        %dma_start3A_202 = arith.constant 0 : i32
        %dma_start3A_203 = tpu.memref_slice %arg15[%run_scoped3A, %dma_start3A_202] : memref<16x128xf32, #tpu.memory_space<vmem>> -> memref<1x16xf32, #tpu.memory_space<vmem>>
        %dma_start3A_204 = tpu.memref_squeeze %dma_start3A_203 : memref<1x16xf32, #tpu.memory_space<vmem>> -> memref<16xf32, #tpu.memory_space<vmem>>
        tpu.enqueue_dma source(%dma_start3A_204 : memref<16xf32, #tpu.memory_space<vmem>>) target(%arg10 : memref<16xf32, #tpu.memory_space<hbm>>) target_semaphore(%run_scoped3A_199 : memref<!tpu.dma_semaphore, #tpu.memory_space<semaphore_mem>>)
        %dma_wait3A = arith.constant 0 : i32
        %dma_wait3A_205 = tpu.memref_slice %arg15[%run_scoped3A, %dma_wait3A] : memref<16x128xf32, #tpu.memory_space<vmem>> -> memref<1x16xf32, #tpu.memory_space<vmem>>
        %dma_wait3A_206 = tpu.memref_squeeze %dma_wait3A_205 : memref<1x16xf32, #tpu.memory_space<vmem>> -> memref<16xf32, #tpu.memory_space<vmem>>
        %dma_wait3A_207 = arith.constant 0 : i32
        %dma_wait3A_208 = tpu.memref_slice %arg15[%run_scoped3A, %dma_wait3A_207] : memref<16x128xf32, #tpu.memory_space<vmem>> -> memref<1x16xf32, #tpu.memory_space<vmem>>
        %dma_wait3A_209 = tpu.memref_squeeze %dma_wait3A_208 : memref<1x16xf32, #tpu.memory_space<vmem>> -> memref<16xf32, #tpu.memory_space<vmem>>
        tpu.wait_dma2 semaphore(%run_scoped3A_199 : memref<!tpu.dma_semaphore, #tpu.memory_space<semaphore_mem>>) src(%dma_wait3A_209 : memref<16xf32, #tpu.memory_space<vmem>>) dst(%arg10 : memref<16xf32, #tpu.memory_space<hbm>>)
        tpu.yield
      }) : () -> ()
    } else {
    }
    return
  }
}

</mosaic_0001>

<sc_bundles>
// kernel: kernel.3.cloned.1.call-start
scs
__scs_entry_jumppad:
0x0: {  	(pc) =	sbr.rel $0x88, $3  }
0x1: {  	(tag) =	ssettag $0x0;
	lr =	simm.s32 $0x1  }
0x2: {  	[smem:$0x3F99] =	sst lr;
	_ =	strace $0xD0000000  }
0x3: {  	_ = 	snop  }
0x4: {  	_ = 	snop  }
0x5: {  	_ = 	snop  }
0x6: {  	_ = 	snop  }
0x7: {  	_ = 	snop  }
__scs_overlays_trampoline_lowered:
0x8: {  	[smem:$0x3FA8] =	sst s0  }
0x9: {  	[smem:$0x3FA9] =	sst s1  }
0xa: {  	[smem:$0x3FAA] =	sst s2  }
0xb: {  	[smem:$0x3FAB] =	sst s3  }
0xc: {  	[smem:$0x3FAC] =	sst s4  }
0xd: {  	[smem:$0x3FAD] =	sst s5  }
0xe: {  	[smem:$0x3FAE] =	sst s6  }
0xf: {  	[smem:$0x3FAF] =	sst s7  }
0x10: {  	[smem:$0x3FB0] =	sst s8  }
0x11: {  	[smem:$0x3FB1] =	sst s9;
	s0 =	simm.s32 @!p0 $0x0  }
0x12: {  	s1 =	sld [smem:$0x3F97];
	s0 =	simm.s32 @p0 $0x1  }
0x13: {  	[smem:$0x3FB2] =	sst s0;
	s0 =	simm.s32 @!p1 $0x0  }
0x14: {  	s2 =	sld [smem:$0x3F96];
	s0 =	simm.s32 @p1 $0x1  }
0x15: {  	[smem:$0x3FB3] =	sst s0;
	s0 =	simm.s32 @!p2 $0x0  }
0x16: {  	s3 =	sld [smem:$0x3FDB];
	s0 =	simm.s32 @p2 $0x1  }
0x17: {  	s4 =	simm.s32 $0x1BF5;
	[smem:$0x3FB5] =	sst s0  }
0x18: {  	s0 =	sld [smem:$0x3F98];
	_ =	swait.ge [sflag:s4], $0x0  }
0x19: {  	s7 =	sld [smem:$0x3F99]  }
0x1a: {  	s8 =	sadd.s32 $0xFFFFE003, lr  }
0x1b: {  	s9 =	sadd.s32 $0xFFFFFEF7, lr;
	s5 =	simm.s32 $0xFFFFFFFF;
	p2 =	slt.u32 s8, $0xFFFFF086  }
0x1c: {  	p1 =	slt.u32 s9, $0xF7A;
	s5 =	simm.s32 @!p2 $0x0  }
0x1d: {  	s5 =	simm.s32 @p1 $0x1;
	p0 =	seq.s32 s7, s2  }
0x1e: {  	s7 =	smul.u32 @!p0 $0xF7A, s2;
	p2 =	seq.s32 @!p0 s5, $0x0  }
0x1f: {  	s9 =	smul.u32 $0xF7A, s1;
	s8 =	simm.s32 @!p0 $0x1BF5;
	p2 =	por !p2, p0  }
0x20: {  	[sflag:s8] =	ssyncset.s32 @!p0 $0xFFFFF086;
	s6 =	sadd.s32 @!p0 s3, s7;
	s7 =	simm.s32 @!p0 $0x108  }
0x21: {  	s3 =	sadd.s32 s3, s9;
	s6 =	sadd.s32 @!p0 $0x88, s6;
	s7 =	simm.s32 @p2 $0x1082  }
0x22: {  	[simem:s7], [sflag:s8] =	dma.local @!p0 [hbm:s6], $0xF7A  }
0x23: {  	s9 =	sor.u32 $0xD0000000, s2;
	s6 =	simm.s32 $0x108;
	_ =	swait.ge @!p0 [sflag:s8], $0x0  }
0x24: {  	s3 =	sadd.s32 $0x88, s3;
	s6 =	simm.s32 @!p1 $0x1082;
	[sflag:s4] =	ssyncset.s32 $0xFFFFF086  }
0x25: {  	[simem:s6], [sflag:s4] =	dma.local [hbm:s3], $0xF7A  }
0x26: {  	[smem:$0x3F99] =	sst s1;
	(tag) =	ssettag s2;
	_ =	strace s9  }
0x27: {  	s1 =	sld [smem:$0x3FA9]  }
0x28: {  	s2 =	sld [smem:$0x3FAA]  }
0x29: {  	s4 =	sld [smem:$0x3FAC]  }
0x2a: {  	p0 =	seq.s32 s5, $0x0;
	s5 =	sld [smem:$0x3FAD]  }
0x2b: {  	s6 =	sld [smem:$0x3FAE]  }
0x2c: {  	s7 =	sld [smem:$0x3FAF]  }
0x2d: {  	s3 =	simm.s32 $0x108;
	s8 =	sld [smem:$0x3FB0]  }
0x2e: {  	s3 =	simm.s32 @!p0 $0x1082;
	s9 =	sld [smem:$0x3FB1]  }
0x2f: {  	lr =	sadd.s32 s0, s3;
	s0 =	sld [smem:$0x3FA8]  }
0x30: {  	s3 =	sld [smem:$0x3FAB]  }
0x31: {  	[smem:$0x3FB4] =	sst s10  }
0x32: {  	s10 =	sld [smem:$0x3FB2];
	_ =	sdelay $0x3  }
0x33: {  	p0 =	seq.s32 s10, $0x1;
	s10 =	sld [smem:$0x3FB4];
	_ =	sdelay $0x3  }
0x34: {  	[smem:$0x3FB4] =	sst s10  }
0x35: {  	s10 =	sld [smem:$0x3FB3];
	_ =	sdelay $0x3  }
0x36: {  	p1 =	seq.s32 s10, $0x1;
	s10 =	sld [smem:$0x3FB4];
	_ =	sdelay $0x3  }
0x37: {  	[smem:$0x3FB4] =	sst s10  }
0x38: {  	s10 =	sld [smem:$0x3FB5]  }
0x39: {  	_ = 	snop;
	(pc) =	sbr.ind lr, $3  }
0x3a: {  	_ = 	snop  }
0x3b: {  	_ = 	snop  }
0x3c: {  	p2 =	seq.s32 s10, $0x1;
	s10 =	sld [smem:$0x3FB4]  }
0x3d: {  	_ =	shalt  }
0x3e: {  	_ =	shalt  }
0x3f: {  	_ =	shalt  }
0x40: {  	_ =	shalt  }
0x41: {  	_ =	shalt  }
0x42: {  	_ =	shalt  }
0x43: {  	_ =	shalt  }
0x44: {  	_ =	shalt  }
0x45: {  	_ =	shalt  }
0x46: {  	_ =	shalt  }
0x47: {  	_ =	shalt  }
0x48: {  	_ =	shalt  }
0x49: {  	_ =	shalt  }
0x4a: {  	_ =	shalt  }
0x4b: {  	_ =	shalt  }
0x4c: {  	_ =	shalt  }
0x4d: {  	_ =	shalt  }
0x4e: {  	_ =	shalt  }
0x4f: {  	_ =	shalt  }
0x50: {  	_ =	shalt  }
0x51: {  	_ =	shalt  }
0x52: {  	_ =	shalt  }
0x53: {  	_ =	shalt  }
0x54: {  	_ =	shalt  }
0x55: {  	_ =	shalt  }
0x56: {  	_ =	shalt  }
0x57: {  	_ =	shalt  }
0x58: {  	_ =	shalt  }
0x59: {  	_ =	shalt  }
0x5a: {  	_ =	shalt  }
0x5b: {  	_ =	shalt  }
0x5c: {  	_ =	shalt  }
0x5d: {  	_ =	shalt  }
0x5e: {  	_ =	shalt  }
0x5f: {  	_ =	shalt  }
0x60: {  	_ =	shalt  }
0x61: {  	_ =	shalt  }
0x62: {  	_ =	shalt  }
0x63: {  	_ =	shalt  }
0x64: {  	_ =	shalt  }
0x65: {  	_ =	shalt  }
0x66: {  	_ =	shalt  }
0x67: {  	_ =	shalt  }
0x68: {  	_ =	shalt  }
0x69: {  	_ =	shalt  }
0x6a: {  	_ =	shalt  }
0x6b: {  	_ =	shalt  }
0x6c: {  	_ =	shalt  }
0x6d: {  	_ =	shalt  }
0x6e: {  	_ =	shalt  }
0x6f: {  	_ =	shalt  }
0x70: {  	_ =	shalt  }
0x71: {  	_ =	shalt  }
0x72: {  	_ =	shalt  }
0x73: {  	_ =	shalt  }
0x74: {  	_ =	shalt  }
0x75: {  	_ =	shalt  }
0x76: {  	_ =	shalt  }
0x77: {  	_ =	shalt  }
0x78: {  	_ =	shalt  }
0x79: {  	_ =	shalt  }
0x7a: {  	_ =	shalt  }
0x7b: {  	_ =	shalt  }
0x7c: {  	_ =	shalt  }
0x7d: {  	_ =	shalt  }
0x7e: {  	_ =	shalt  }
0x7f: {  	_ =	shalt  }
0x80: {  	_ =	shalt  }
0x81: {  	_ =	shalt  }
0x82: {  	_ =	shalt  }
0x83: {  	_ =	shalt  }
0x84: {  	_ =	shalt  }
0x85: {  	_ =	shalt  }
0x86: {  	_ =	shalt  }
0x87: {  	_ =	shalt  }
.Lfunc_end0:
.L_simem_size_0:
called_computation_lowered:
.L_overlay_start_0:
0x88: {  	s0 =	sld [smem:$0x3FD9]  }
0x89: {  	s1 =	sld [smem:$0x3FFE];
	_ =	sdelay $0x3  }
0x8a: {  	s0 =	sadd.s32 s1, s0  }
0x8b: {  	[smem:$0x3FC0] =	sst s0  }
0x8c: {  	_ = 	snop  }
0x8d: {  	s0 =	sld [smem:$0x3FC9]  }
0x8e: {  	s17 =	sld [smem:$0x3FC8]  }
0x8f: {  	s2 =	sld [smem:$0x3FC7]  }
0x90: {  	s3 =	sld [smem:$0x3FC6]  }
0x91: {  	s4 =	sld [smem:$0x3FC5]  }
0x92: {  	s5 =	sld [smem:$0x3FC4]  }
0x93: {  	s6 =	sld [smem:$0x3FC3]  }
0x94: {  	s7 =	sld [smem:$0x3FC2]  }
0x95: {  	s8 =	sld [smem:$0x3FD0];
	(tm) =	ssettm $0x1  }
0x96: {  	s9 =	sld [smem:$0x3FFB];
	_ =	sdelay $0x3  }
0x97: {  	_ =	strace s9  }
0x98: {  	s9 =	sld [smem:$0x3FFC];
	_ =	sdelay $0x3  }
0x99: {  	_ =	strace s9  }
0x9a: {  	s9 =	sld [smem:$0x3FFD];
	_ =	sdelay $0x3  }
0x9b: {  	_ =	strace s9  }
0x9c: {  	_ =	strace $0x8FFFFFFF  }
0x9d: {  	s18 =	sld [smem:$0x3FDB];
	_ =	sdelay $0x1  }
0x9e: {  	s10 =	simm.s32 $_scs_section_size  }
0x9f: {  	s11 =	simm.s32 $_size__tile_overlayer_lowered;
	s12 =	simm.s32 $_tile_overlayer_lowered  }
0xa0: {  	s21 =	simm.s32 $0x1BFF;
	s20 =	sshll.u32 s12, $0x1;
	s9 =	sadd.s32 s10, s18  }
0xa1: {  	s13 =	simm.s32 $0x0;
	s19 =	sshll.u32 s11, $0x1;
	s11 =	sadd.s32 s20, s9  }
0xa2: {  	[timem:s13], [sflag:s21] =	dma.local [hbm:s11], s19  }
0xa3: {  	_ =	swait.ge [sflag:s21], s19  }
0xa4: {  	s10 =	ssub.s32 $0x0, s19;
	[sflag:s21] =	ssyncset.done $0x0  }
0xa5: {  	[sflag:s21] =	ssyncadd.s32 s10;
	_ =	sdelay $0x1  }
0xa6: {  	s22 =	simm.s32 $0x1B8B  }
0xa7: {  	_ =	swait.ge [sflag:s22], $0x1  }
0xa8: {  	[sflag:s22] =	ssyncset.done $0x0  }
0xa9: {  	s23 =	simm.s32 $0x1B8E;
	[sflag:s22] =	ssyncadd.s32 $0xFFFFFFFF  }
0xaa: {  	s24 =	simm.s32 $execute0_lowered;
	[smem:$0x3FD2] =	sst s23  }
0xab: {  	s10 =	sshll.u32 s24, $0x1;
	_ =	strace $0x80000046;
	[dreg:$0x1] =	wrdreg $0xFFFFFFFF  }
0xac: {  	s25 =	simm.s32 $_size_execute0_lowered;
	s9 =	sadd.s32 s9, s10;
	[dreg:$0x0] =	wrdreg $0x0  }
0xad: {  	s10 =	sshll.u32 s25, $0x1;
	[dreg:$0x2] =	wrdreg s9  }
0xae: {  	[dreg:$0x3] =	wrdreg s10  }
0xaf: {  	[dreg:$0x4] =	wrdreg $0xC0  }
0xb0: {  	_ =	task [dreg:s13], $0x5FFFF  }
0xb1: {  	[dreg:$0x1] =	wrdreg $0xFFFFFFFF  }
0xb2: {  	[dreg:$0x0] =	wrdreg $0x60  }
0xb3: {  	[dreg:$0x2] =	wrdreg s3  }
0xb4: {  	[dreg:$0x3] =	wrdreg s17  }
0xb5: {  	[dreg:$0x4] =	wrdreg s2  }
0xb6: {  	[dreg:$0x5] =	wrdreg s0  }
0xb7: {  	[dreg:$0x6] =	wrdreg s4  }
0xb8: {  	[dreg:$0x7] =	wrdreg s5  }
0xb9: {  	[dreg:$0x8] =	wrdreg s6  }
0xba: {  	[dreg:$0x9] =	wrdreg s7  }
0xbb: {  	[dreg:$0xa] =	wrdreg s8  }
0xbc: {  	[dreg:$0xb] =	wrdreg $0xA000  }
0xbd: {  	[dreg:$0xc] =	wrdreg $0x9  }
0xbe: {  	_ =	task.clear_ibuf [dreg:s13], $0xDFFFF;
	_ =	strace $0x90000046  }
0xbf: {  	s26 =	simm.s32 $0x9;
	_ =	strace $0x80000048  }
0xc0: {  	_ =	swait.ge [sflag:s26], $0x1  }
0xc1: {  	[sflag:s26] =	ssyncadd.s32 $0xFFFFFFFF  }
0xc2: {  	_ =	strace $0x90000048  }
0xc3: {  	_ =	sfence  }
0xc4: {  	s28 =	sld [smem:$0x0];
	_ =	sdelay $0x1  }
0xc5: {  	s29 =	srdreg.scid  }
0xc6: {  	s30 =	sshll.u32 s29, $0xD;
	s31 =	sshrl.u32 s29, $0x2  }
0xc7: {  	s1 =	sand.u32 $0x1, s29;
	s2 =	sand.u32 $0x4000, s30;
	s0 =	sadd.s32 s31, s28  }
0xc8: {  	s1 =	sor.u32 s2, s1;
	s0 =	sshll.u32 s0, $0x11  }
0xc9: {  	s0 =	sor.u32 s0, s1  }
0xca: {  	s0 =	sadd.s32 $0x8F2B, s0  }
0xcb: {  	[sflag:s0] =	ssyncadd.remote.s32 $0x1  }
0xcc: {  	_ =	sfence.sel $0xFFFF  }
0xcd: {  	[dreg:$0x0] =	wrdreg $0xFFFFFFFF;
	(pc) =	sbr.abs _section_cstart, $3  }
0xce: {  	[dreg:$0x1] =	wrdreg $0xFFFFFFFF  }
0xcf: {  	_ =	task.clear_ibuf [dreg:s13], $0x2FFFF;
	_ =	strace $0x9FFFFFFF  }
0xd0: {  	(tm) =	ssettm $0x7FFFFFFF  }
0xd1: {  	_ =	shalt  }
tec
execute0_lowered:
.L_overlay_start_1:
0x0: {  	(tag) =	ssettag $0x1  }
0x1: {  	s10 =	rddreg [dreg:$0x0]  }
0x2: {  	s8 =	rddreg [dreg:$0x1]  }
0x3: {  	s7 =	rddreg [dreg:$0x2]  }
0x4: {  	s11 =	rddreg [dreg:$0x3]  }
0x5: {  	s6 =	rddreg [dreg:$0x4]  }
0x6: {  	s5 =	rddreg [dreg:$0x5];
	s1 =	stileid.u32  }
0x7: {  	s4 =	rddreg [dreg:$0x6];
	p0 =	sgt.u32 s1, $0xC  }
.Ltmp0:
0x8: {  	s9 =	rddreg [dreg:$0x7];
	(pc) =	sbr.rel @p0 .LBB2_11-.Ltmp0, $4  }
0x9: {  	s2 =	rddreg [dreg:$0x8]  }
0xa: {  	s3 =	rddreg [dreg:$0x9];
	s12 =	simm.s32 $0x0  }
0xb: {  	[smem:$0x7FF] =	sst s12  }
0xc: {  	s0 =	rddreg [dreg:$0xa];
	_ =	strace $0x80000047  }
0xd: {  	s4 =	sshll.u32 s1, $0x4  }
0xe: {  	s4 =	smin.u32 s4, $0xB8  }
0xf: {  	s28 =	simm.s32 $0x4;
	s4 =	sshrl.u32 s4, $0x3  }
0x10: {  	p0 =	seq.s32 s1, $0xC;
	s6 =	simm.s32 $0x1000;
	s4 =	sadd.s32 s10, s4  }
0x11: {  	[tilespmem:s12], [sflag:$0x4] =	stream.linear.gather [hbm4b:s4+s12], $0x10, $0x38;
	[tilespmem:$0xA78] =	vst v63  }
0x12: {  	s29 =	simm.s32 $0x10;
	s6 =	simm.s32 @!p0 $0x0;
	_ =	swait.ge [sflag:s28], $0x10  }
0x13: {  	s5 =	simm.s32 $0x200;
	p1 =	seq.s32 s6, $0x1E00;
	[sflag:s28] =	ssyncset.done $0x0  }
.Ltmp1:
0x14: {  	s30 =	simm.s32 $0x1;
	[sflag:s28] =	ssyncadd.s32 $0xFFFFFFF0;
	(pc) =	sbr.rel @p1 .LBB2_2-.Ltmp1, $4  }
0x15: {  	[tilespmem:s5], [sflag:$0x1] =	stream.indirect.gather [hbm4b:s9+s29], $0x80, s12, s29, $0xb8;
	[tilespmem:$0xA78] =	vst v63  }
0x16: {  	s31 =	sshll.u32 s1, $0x7;
	_ =	swait.ge [sflag:s30], $0x800  }
0x17: {  	p0 =	por $0x0, $0x0;
	s7 =	sadd.s32 $0x200, s6;
	[sflag:s30] =	ssyncset.done $0x0  }
0x18: {  	v0 =	vimm.f32 $0.0e+00;
	s4 =	sadd.s32 s31, s3;
	s5 =	sshra.s32 s6, $0x2;
	[sflag:s30] =	ssyncadd.s32 $0xFFFFF800  }
0x19: {  	v1 =	vld [tilespmem:s5+$0x270]  }
0x1a: {  	v2 =	vld [tilespmem:s5+$0x200]  }
0x1b: {  	v3 =	vld [tilespmem:s5+$0x210];
	p1 =	seq.s32 s7, $0x1E00  }
.Ltmp2:
0x1c: {  	v6 =	vld [tilespmem:s5+$0x220];
	(pc) =	sbr.rel @p1 .LBB2_4-.Ltmp2, $4  }
0x1d: {  	v7 =	vld [tilespmem:s5+$0x230]  }
0x1e: {  	v8 =	vld [tilespmem:s5+$0x240];
	v4 =	vimm.f32 $0.0e+00;
	v5 =	vimm.f32 $0.0e+00  }
0x1f: {  	v10 =	vld [tilespmem:s5+$0x250];
	v9 =	vimm.f32 $0.0e+00;
	v11 =	vimm.f32 $0.0e+00;
	v1 =	vadd.f32 v1, v0  }
0x20: {  	s6 =	sshra.s32 s7, $0x2;
	s7 =	sadd.s32 $0x200, s7;
	v13 =	vld [tilespmem:s5+$0x260];
	p0 =	por $0x1, $0x1;
	v12 =	vimm.f32 $0.0e+00;
	v2 =	vadd.f32 v2, v0;
	v3 =	vadd.f32 v3, v0  }
.LBB2_5:
0x21: {  	p1 =	seq.s32 s7, $0x1E00;
	v14 =	vld [tilespmem:s6+$0x270];
	v4 =	vadd.f32 v6, v4  }
0x22: {  	v15 =	vld [tilespmem:s6+$0x200];
	v5 =	vadd.f32 v7, v5  }
0x23: {  	v16 =	vld [tilespmem:s6+$0x210];
	v9 =	vadd.f32 v8, v9  }
.Ltmp3:
0x24: {  	v6 =	vld [tilespmem:s6+$0x220];
	v11 =	vadd.f32 v10, v11;
	(pc) =	sbr.rel @!p1 .LBB2_5-.Ltmp3, $4  }
0x25: {  	v7 =	vld [tilespmem:s6+$0x230];
	v12 =	vadd.f32 v13, v12  }
0x26: {  	v8 =	vld [tilespmem:s6+$0x240];
	v1 =	vadd.f32 v14, v1  }
0x27: {  	v2 =	vadd.f32 v15, v2;
	v10 =	vld [tilespmem:s6+$0x250]  }
0x28: {  	v3 =	vadd.f32 v16, v3;
	v13 =	vld [tilespmem:s6+$0x260];
	s6 =	sshra.s32 s7, $0x2;
	s7 =	sadd.s32 $0x200, s7  }
0x29: {  	s5 =	smov.u32 s6  }
.LBB2_7:
0x2a: {  	v15 =	vld [tilespmem:s5+$0x200]  }
0x2b: {  	v16 =	vld [tilespmem:s5+$0x210]  }
0x2c: {  	v17 =	vld [tilespmem:s5+$0x220]  }
0x2d: {  	v18 =	vld [tilespmem:s5+$0x230]  }
0x2e: {  	v4 =	vadd.f32 @p0 v6, v4;
	v57 =	vld [tilespmem:s5+$0x240]  }
0x2f: {  	v5 =	vadd.f32 @p0 v7, v5;
	v58 =	vld [tilespmem:s5+$0x250];
	v2 =	vadd.f32 v15, v2  }
0x30: {  	v14 =	vld [tilespmem:s5+$0x270];
	v7 =	vadd.f32 @p0 v8, v9;
	v4 =	vpsel p0, v4, v0;
	v3 =	vadd.f32 v16, v3  }
0x31: {  	v59 =	vld [tilespmem:s5+$0x260];
	v9 =	vadd.f32 @p0 v10, v11;
	v5 =	vpsel p0, v5, v0;
	v4 =	vadd.f32 v17, v4;
	[tilespmem:$0x200] =	vst v2  }
0x32: {  	v7 =	vpsel p0, v7, v0;
	v60 =	vadd.f32 v18, v5;
	[tilespmem:$0x210] =	vst v3  }
0x33: {  	v10 =	vadd.f32 @p0 v13, v12;
	v9 =	vpsel p0, v9, v0;
	v61 =	vadd.f32 v57, v7;
	[tilespmem:$0x220] =	vst v4  }
0x34: {  	v62 =	vadd.f32 v58, v9;
	[tilespmem:$0x230] =	vst v60  }
0x35: {  	v1 =	vadd.f32 v14, v1;
	v10 =	vpsel p0, v10, v0;
	[tilespmem:$0x240] =	vst v61  }
0x36: {  	v63 =	vadd.f32 v59, v10;
	[tilespmem:$0x250] =	vst v62  }
0x37: {  	[tilespmem:$0x270] =	vst v1  }
0x38: {  	s5 =	simm.s32 $0x200;
	[tilespmem:$0x260] =	vst v63  }
0x39: {  	[spmem:s4] =	stream.linear.scatter [tilespmem:s5], [sflag:$0x4], $0x80, $0x38;
	[tilespmem:$0xA78] =	vst v63  }
0x3a: {  	s4 =	simm.s32 $0x4  }
0x3b: {  	_ =	swait.ge [sflag:s4], $0x80  }
0x3c: {  	[sflag:s4] =	ssyncset.done $0x0  }
0x3d: {  	[sflag:s4] =	ssyncadd.s32 $0xFFFFFF80  }
0x3e: {  	p0 =	sne.s32 s1, $0x0;
	[bflag:$0x0] =	sbarrier.arrive $0xFFFF  }
0x3f: {  	_ =	sfence.sel @p0 $0x180000  }
0x40: {  	[bflag:$0x0] =	sbarrier.arrive @p0 $0xFFFF  }
0x41: {  	_ =	strace @p0 $0x90000047  }
0x42: {  	[bflag:$0x2] =	sbarrier.arrive @p0 $0xFFFF  }
0x43: {  	_ =	shalt @p0  }
.LBB2_8:
0x44: {  	[tilespmem:s5], [sflag:$0x4] =	stream.linear.gather [spmem:s3], $0x780, $0x38;
	[tilespmem:$0xA78] =	vst v63  }
0x45: {  	_ =	swait.ge [sflag:s4], $0x780  }
0x46: {  	[sflag:s4] =	ssyncset.done $0x0  }
0x47: {  	[sflag:s4] =	ssyncadd.s32 $0xFFFFF880  }
0x48: {  	v6 =	vld [tilespmem:$0x200]  }
0x49: {  	v10 =	vld [tilespmem:$0x210]  }
0x4a: {  	v5 =	vld [tilespmem:$0x220]  }
0x4b: {  	v4 =	vld [tilespmem:$0x230]  }
0x4c: {  	v3 =	vld [tilespmem:$0x240]  }
0x4d: {  	v2 =	vld [tilespmem:$0x250]  }
0x4e: {  	v1 =	vld [tilespmem:$0x260]  }
0x4f: {  	s31 =	simm.s32 $0xF0;
	v0 =	vld [tilespmem:$0x270]  }
0x50: {  	v7 =	vld [tilespmem:s31+$0x200]  }
0x51: {  	v12 =	vld [tilespmem:s31+$0x190]  }
0x52: {  	v13 =	vld [tilespmem:s31+$0x1A0]  }
0x53: {  	v11 =	vld [tilespmem:s31+$0x1B0]  }
0x54: {  	v9 =	vld [tilespmem:s31+$0x1C0]  }
0x55: {  	v8 =	vld [tilespmem:s31+$0x1D0]  }
0x56: {  	v0 =	vadd.f32 v7, v0;
	v7 =	vld [tilespmem:s31+$0x1E0]  }
0x57: {  	s3 =	simm.s32 $0x170;
	s4 =	simm.s32 $0x7C0;
	v12 =	vadd.f32 v12, v6;
	v10 =	vadd.f32 v13, v10;
	v6 =	vld [tilespmem:s31+$0x1F0]  }
.LBB2_9:
0x58: {  	p0 =	sne.s32 s4, $0x19C0;
	v13 =	vld [tilespmem:s3+$0x200];
	v5 =	vadd.f32 v11, v5  }
0x59: {  	v14 =	vld [tilespmem:s3+$0x190];
	v4 =	vadd.f32 v9, v4  }
0x5a: {  	v15 =	vld [tilespmem:s3+$0x1A0];
	v3 =	vadd.f32 v8, v3  }
.Ltmp4:
0x5b: {  	v11 =	vld [tilespmem:s3+$0x1B0];
	v2 =	vadd.f32 v7, v2;
	(pc) =	sbr.rel @p0 .LBB2_9-.Ltmp4, $4  }
0x5c: {  	v9 =	vld [tilespmem:s3+$0x1C0];
	v1 =	vadd.f32 v6, v1  }
0x5d: {  	v8 =	vld [tilespmem:s3+$0x1D0];
	v0 =	vadd.f32 v13, v0  }
0x5e: {  	v12 =	vadd.f32 v14, v12;
	v7 =	vld [tilespmem:s3+$0x1E0]  }
0x5f: {  	v10 =	vadd.f32 v15, v10;
	v6 =	vld [tilespmem:s3+$0x1F0];
	s3 =	sshra.s32 s4, $0x2;
	s4 =	sadd.s32 $0x200, s4  }
0x60: {  	v13 =	vld [tilespmem:s3+$0x190]  }
0x61: {  	v14 =	vld [tilespmem:s3+$0x1A0]  }
0x62: {  	v15 =	vld [tilespmem:s3+$0x1B0]  }
0x63: {  	v16 =	vld [tilespmem:s3+$0x1C0]  }
0x64: {  	v17 =	vld [tilespmem:$0x900]  }
0x65: {  	v40 =	vld [tilespmem:$0x880];
	v12 =	vadd.f32 v13, v12  }
0x66: {  	v18 =	vld [tilespmem:$0x910]  }
0x67: {  	v5 =	vadd.f32 v11, v5;
	v41 =	vld [tilespmem:s3+$0x1D0];
	v10 =	vadd.f32 v14, v10;
	v12 =	vmul.f32 $4.999999890e-03, v12  }
0x68: {  	v42 =	vld [tilespmem:$0x920];
	v4 =	vadd.f32 v9, v4  }
0x69: {  	v43 =	vld [tilespmem:s3+$0x1E0];
	v5 =	vadd.f32 v15, v5;
	v10 =	vmul.f32 $4.999999890e-03, v10;
	v12 =	vmul.f32 v17, v12  }
0x6a: {  	v44 =	vld [tilespmem:$0x930];
	v3 =	vadd.f32 v8, v3;
	v4 =	vadd.f32 v16, v4  }
0x6b: {  	v5 =	vmul.f32 $4.999999890e-03, v5;
	v10 =	vmul.f32 v18, v10;
	v12 =	vadd.f32 v12, v40  }
0x6c: {  	v46 =	vld [tilespmem:$0x940];
	v2 =	vadd.f32 v7, v2;
	v3 =	vadd.f32 v41, v3  }
0x6d: {  	v45 =	vld [tilespmem:s3+$0x1F0];
	v4 =	vmul.f32 $4.999999890e-03, v4;
	v5 =	vmul.f32 v42, v5;
	v10 =	vadd.f32 v10, v12  }
0x6e: {  	v47 =	vld [tilespmem:$0x950];
	v2 =	vadd.f32 v43, v2  }
0x6f: {  	v48 =	vld [tilespmem:s3+$0x200];
	v3 =	vmul.f32 $4.999999890e-03, v3;
	v4 =	vmul.f32 v44, v4;
	v5 =	vadd.f32 v5, v10  }
0x70: {  	v1 =	vadd.f32 v6, v1  }
0x71: {  	v49 =	vld [tilespmem:$0x960];
	v2 =	vmul.f32 $4.999999890e-03, v2;
	v3 =	vmul.f32 v46, v3;
	v4 =	vadd.f32 v4, v5  }
0x72: {  	v1 =	vadd.f32 v45, v1  }
0x73: {  	v50 =	vld [tilespmem:$0x970];
	v2 =	vmul.f32 v47, v2;
	v3 =	vadd.f32 v3, v4  }
0x74: {  	v51 =	vimm.s32 $0xFEDCBA98;
	v0 =	vadd.f32 v48, v0;
	v1 =	vmul.f32 $4.999999890e-03, v1  }
0x75: {  	v52 =	vimm.s32 $0x76543210;
	v2 =	vadd.f32 v2, v3;
	v3 =	vunpack.c.l.s4.s8 v51  }
0x76: {  	v0 =	vmul.f32 $4.999999890e-03, v0;
	v1 =	vmul.f32 v49, v1;
	v5 =	vunpack.c.l.s4.s8 v52  }
0x77: {  	v56 =	vimm.s32 $0xBA98FEDC;
	v57 =	vimm.s32 $0x32107654;
	v53 =	vunpack.c.0.s8.s32 v3  }
0x78: {  	v0 =	vmul.f32 v50, v0;
	v54 =	vunpack.c.0.s8.s32 v5;
	v1 =	vadd.f32 v1, v2  }
0x79: {  	v2 =	vunpack.c.l.s4.s8 v56;
	v3 =	vunpack.c.l.s4.s8 v57;
	v55 =	vand.u32 $0xF, v53  }
0x7a: {  	v0 =	vadd.f32 v0, v1;
	v1 =	vcombine.low v55, v54  }
0x7b: {  	v2 =	vunpack.c.0.s8.s32 v2;
	v3 =	vunpack.c.0.s8.s32 v3  }
0x7c: {  	v1 =	vperm.xlane v0, v1  }
0x7d: {  	v59 =	vimm.s32 $0xDCFE98BA;
	v60 =	vimm.s32 $0x54761032;
	v58 =	vcombine.low v3, v2  }
0x7e: {  	v2 =	vunpack.c.l.s4.s8 v59;
	v3 =	vunpack.c.l.s4.s8 v60;
	v0 =	vadd.f32 v0, v1  }
0x7f: {  	v62 =	vimm.s32 $0x67452301  }
0x80: {  	v2 =	vunpack.c.0.s8.s32 v2;
	v3 =	vunpack.c.0.s8.s32 v3;
	v1 =	vperm.xlane v0, v58  }
0x81: {  	v61 =	vimm.s32 $0xEFCDAB89;
	v63 =	vunpack.c.l.s4.s8 v62  }
0x82: {  	v2 =	vcombine.low v3, v2;
	v0 =	vadd.f32 v0, v1;
	v1 =	vunpack.c.l.s4.s8 v61;
	_ =	sdelay $0x1  }
0x83: {  	v3 =	vunpack.c.0.s8.s32 v63;
	v2 =	vperm.xlane v0, v2;
	v1 =	vunpack.c.0.s8.s32 v1;
	_ =	sdelay $0x1  }
0x84: {  	v0 =	vadd.f32 v0, v2;
	v1 =	vcombine.low v3, v1;
	_ =	sdelay $0x1  }
0x85: {  	v1 =	vperm.xlane v0, v1;
	_ =	sdelay $0x1  }
0x86: {  	v0 =	vadd.f32 v0, v1;
	_ =	sdelay $0x1  }
0x87: {  	v0 =	vmul.f32 $1.442695020e+00, v0;
	_ =	sdelay $0x1  }
0x88: {  	(erf) = vpow2.f32 v0;
	_ =	sdelay $0x8  }
0x89: {  	v0 =	vpop (erf)  }
0x8a: {  	v0 =	vadd.f32 $1.000000000e+00, v0;
	_ =	sdelay $0x1  }
0x8b: {  	(erf) = vrcp.f32 v0;
	_ =	sdelay $0x8  }
0x8c: {  	s30 =	simm.s32 $0x0;
	v0 =	vpop (erf)  }
.Ltmp5:
0x8d: {  	s4 =	simm.s32 $0x980;
	s31 =	simm.s32 $0x4;
	[tilespmem:$0x980] =	vst v0;
	(pc) =	sbr.rel .LBB2_14-.Ltmp5, $4  }
0x8e: {  	[hbm4b:s2+s30] =	stream.linear.scatter [tilespmem:s4], [sflag:$0x4], $0x10, $0x38;
	[tilespmem:$0xA78] =	vst v63  }
0x8f: {  	_ =	swait.ge [sflag:s31], $0x10  }
0x90: {  	[sflag:s31] =	ssyncset.done $0x0  }
0x91: {  	[sflag:s31] =	ssyncadd.s32 $0xFFFFFFF0  }
.LBB2_11:
0x92: {  	p0 =	seq.s32 s1, $0xD  }
.Ltmp6:
0x93: {  	_ = 	snop;
	(pc) =	sbr.rel @!p0 .LBB2_12-.Ltmp6, $1  }
0x94: {  	_ =	sdelay $0x3  }
0x95: {  	s2 =	simm.s32 $0x0;
	s9 =	simm.s32 $0x180  }
0x96: {  	[tilespmem:s9], [sflag:$0x1] =	stream.linear.gather [hbm4b:s11+s2], $0x80, $0x38;
	[tilespmem:$0xA78] =	vst v63  }
0x97: {  	s10 =	simm.s32 $0x80  }
0x98: {  	[tilespmem:s10], [sflag:$0x2] =	stream.linear.gather [hbm4b:s8+s2], $0x80, $0x38;
	[tilespmem:$0xA78] =	vst v63  }
0x99: {  	s18 =	simm.s32 $0x100;
	s19 =	simm.s32 $0x1  }
0x9a: {  	[tilespmem:s18], [sflag:$0x3] =	stream.linear.gather [hbm4b:s7+s2], $0x80, $0x38;
	[tilespmem:$0xA78] =	vst v63  }
0x9b: {  	_ =	swait.ge [sflag:s19], $0x80  }
0x9c: {  	[sflag:s19] =	ssyncset.done $0x0  }
0x9d: {  	s20 =	simm.s32 $0x2;
	[sflag:s19] =	ssyncadd.s32 $0xFFFFFF80  }
0x9e: {  	_ =	swait.ge [sflag:s20], $0x80  }
0x9f: {  	[sflag:s20] =	ssyncset.done $0x0  }
0xa0: {  	s21 =	simm.s32 $0x3;
	[sflag:s20] =	ssyncadd.s32 $0xFFFFFF80  }
0xa1: {  	_ =	swait.ge [sflag:s21], $0x80  }
0xa2: {  	[sflag:s21] =	ssyncset.done $0x0  }
0xa3: {  	s12 =	simm.s32 $0x200;
	[sflag:s21] =	ssyncadd.s32 $0xFFFFFF80  }
0xa4: {  	[tilespmem:s12], [sflag:$0x1] =	stream.indirect.gather [hbm4b:s6+s19], $0x80, s9, s19, $0xb8;
	[tilespmem:$0xA78] =	vst v63  }
0xa5: {  	s22 =	simm.s32 $0x280  }
0xa6: {  	[tilespmem:s22], [sflag:$0x2] =	stream.indirect.gather [hbm4b:s5+s19], $0x80, s10, s19, $0xb8;
	[tilespmem:$0xA78] =	vst v63  }
0xa7: {  	s23 =	simm.s32 $0x300  }
0xa8: {  	[tilespmem:s23], [sflag:$0x3] =	stream.indirect.gather [hbm4b:s5+s19], $0x80, s18, s19, $0xb8;
	[tilespmem:$0xA78] =	vst v63  }
0xa9: {  	s24 =	simm.s32 $0x400  }
0xaa: {  	[tilespmem:s24], [sflag:$0x2] =	stream.indirect.gather [hbm4b:s4+s19], $0x80, s10, s19, $0xb8;
	[tilespmem:$0xA78] =	vst v63  }
0xab: {  	s25 =	simm.s32 $0x480  }
0xac: {  	[tilespmem:s25], [sflag:$0x3] =	stream.indirect.gather [hbm4b:s4+s19], $0x80, s18, s19, $0xb8;
	[tilespmem:$0xA78] =	vst v63  }
0xad: {  	_ =	swait.ge [sflag:s19], $0x80  }
0xae: {  	[sflag:s19] =	ssyncset.done $0x0  }
0xaf: {  	[sflag:s19] =	ssyncadd.s32 $0xFFFFFF80  }
0xb0: {  	_ =	swait.ge [sflag:s20], $0x80  }
0xb1: {  	[sflag:s20] =	ssyncset.done $0x0  }
0xb2: {  	[sflag:s20] =	ssyncadd.s32 $0xFFFFFF80  }
0xb3: {  	_ =	swait.ge [sflag:s21], $0x80  }
0xb4: {  	[sflag:s21] =	ssyncset.done $0x0  }
0xb5: {  	[sflag:s21] =	ssyncadd.s32 $0xFFFFFF80  }
0xb6: {  	_ =	swait.ge [sflag:s20], $0x80  }
0xb7: {  	[sflag:s20] =	ssyncset.done $0x0  }
0xb8: {  	[sflag:s20] =	ssyncadd.s32 $0xFFFFFF80  }
0xb9: {  	_ =	swait.ge [sflag:s21], $0x80  }
0xba: {  	[sflag:s21] =	ssyncset.done $0x0  }
0xbb: {  	[sflag:s21] =	ssyncadd.s32 $0xFFFFFF80  }
0xbc: {  	v0 =	vld [tilespmem:$0x200]  }
0xbd: {  	v1 =	vld [tilespmem:$0x280]  }
0xbe: {  	v2 =	vld [tilespmem:$0x300]  }
0xbf: {  	v3 =	vld [tilespmem:$0x400]  }
0xc0: {  	v4 =	vld [tilespmem:$0x480]  }
0xc1: {  	v5 =	vld [tilespmem:$0x210]  }
0xc2: {  	v6 =	vld [tilespmem:$0x290]  }
0xc3: {  	v7 =	vld [tilespmem:$0x310]  }
0xc4: {  	v8 =	vld [tilespmem:$0x410]  }
0xc5: {  	v9 =	vld [tilespmem:$0x490]  }
0xc6: {  	v10 =	vld [tilespmem:$0x220]  }
0xc7: {  	v11 =	vld [tilespmem:$0x2A0]  }
0xc8: {  	v12 =	vld [tilespmem:$0x320]  }
0xc9: {  	v13 =	vld [tilespmem:$0x420]  }
0xca: {  	v14 =	vld [tilespmem:$0x4A0]  }
0xcb: {  	v15 =	vld [tilespmem:$0x230]  }
0xcc: {  	v16 =	vld [tilespmem:$0x2B0]  }
0xcd: {  	v17 =	vld [tilespmem:$0x330]  }
0xce: {  	v18 =	vld [tilespmem:$0x430]  }
0xcf: {  	v19 =	vld [tilespmem:$0x4B0]  }
0xd0: {  	v20 =	vld [tilespmem:$0x240]  }
0xd1: {  	v21 =	vld [tilespmem:$0x2C0]  }
0xd2: {  	v22 =	vld [tilespmem:$0x340]  }
0xd3: {  	v23 =	vld [tilespmem:$0x440]  }
0xd4: {  	v24 =	vld [tilespmem:$0x4C0]  }
0xd5: {  	v25 =	vld [tilespmem:$0x250]  }
0xd6: {  	v26 =	vld [tilespmem:$0x2D0]  }
0xd7: {  	v36 =	vld [tilespmem:$0x350];
	v1 =	vsub.f32 v1, v2  }
0xd8: {  	v27 =	vld [tilespmem:$0x450]  }
0xd9: {  	v38 =	vld [tilespmem:$0x4D0];
	v37 =	vsub.f32 v6, v7;
	v0 =	vmul.f32 v1, v0  }
0xda: {  	v39 =	vld [tilespmem:$0x260]  }
0xdb: {  	v41 =	vld [tilespmem:$0x2E0];
	v40 =	vsub.f32 v11, v12;
	v1 =	vmul.f32 v37, v5;
	v0 =	vadd.f32 $0.0e+00, v0  }
0xdc: {  	v42 =	vld [tilespmem:$0x360]  }
0xdd: {  	v45 =	vld [tilespmem:$0x460];
	v44 =	vsub.f32 v16, v17;
	v43 =	vmul.f32 v40, v10;
	v0 =	vadd.f32 v1, v0  }
0xde: {  	v46 =	vld [tilespmem:$0x4E0]  }
0xdf: {  	v49 =	vld [tilespmem:$0x2F0];
	v48 =	vsub.f32 v21, v22;
	v47 =	vmul.f32 v44, v15;
	v0 =	vadd.f32 v43, v0  }
0xe0: {  	v50 =	vld [tilespmem:$0x370];
	v3 =	vsub.f32 v3, v4  }
0xe1: {  	v52 =	vld [tilespmem:$0x270];
	v2 =	vsub.f32 v26, v36;
	v51 =	vmul.f32 v48, v20;
	v0 =	vadd.f32 v47, v0  }
0xe2: {  	v54 =	vld [tilespmem:$0x470];
	v8 =	vsub.f32 v8, v9;
	v53 =	vsub.f32 v13, v14  }
0xe3: {  	v57 =	vld [tilespmem:$0x4F0];
	v56 =	vsub.f32 v41, v42;
	[tilespmem:$0x500] =	vst v3;
	v55 =	vmul.f32 v2, v25;
	v0 =	vadd.f32 v51, v0  }
0xe4: {  	v58 =	vsub.f32 v18, v19;
	v59 =	vsub.f32 v23, v24;
	[tilespmem:$0x510] =	vst v8  }
0xe5: {  	v61 =	vsub.f32 v49, v50;
	[tilespmem:$0x520] =	vst v53;
	v60 =	vmul.f32 v56, v39;
	v0 =	vadd.f32 v55, v0  }
0xe6: {  	v62 =	vsub.f32 v27, v38;
	[tilespmem:$0x530] =	vst v58  }
0xe7: {  	v63 =	vsub.f32 v45, v46;
	[tilespmem:$0x540] =	vst v59;
	v2 =	vmul.f32 v61, v52;
	v0 =	vadd.f32 v60, v0  }
0xe8: {  	[tilespmem:$0x550] =	vst v62;
	v3 =	vsub.f32 v54, v57  }
0xe9: {  	[tilespmem:$0x560] =	vst v63;
	v0 =	vadd.f32 v2, v0  }
0xea: {  	[tilespmem:$0x570] =	vst v3  }
0xeb: {  	s26 =	sadd.s32 $0x680, s3;
	s28 =	simm.s32 $0x380;
	s29 =	simm.s32 $0x4;
	[tilespmem:$0x380] =	vst v0  }
0xec: {  	[spmem:s26] =	stream.linear.scatter [tilespmem:s28], [sflag:$0x4], $0x10, $0x38;
	[tilespmem:$0xA78] =	vst v63  }
0xed: {  	_ =	swait.ge [sflag:s29], $0x10  }
0xee: {  	[sflag:s29] =	ssyncset.done $0x0  }
0xef: {  	s30 =	sadd.s32 $0x700, s3;
	s31 =	simm.s32 $0x500;
	[sflag:s29] =	ssyncadd.s32 $0xFFFFFFF0  }
0xf0: {  	[spmem:s30] =	stream.linear.scatter [tilespmem:s31], [sflag:$0x4], $0x80, $0x38;
	[tilespmem:$0xA78] =	vst v63  }
.Ltmp7:
0xf1: {  	_ =	swait.ge [sflag:s29], $0x80;
	(pc) =	sbr.rel .LBB2_14-.Ltmp7, $3  }
0xf2: {  	[sflag:s29] =	ssyncset.done $0x0  }
0xf3: {  	[sflag:s29] =	ssyncadd.s32 $0xFFFFFF80  }
0xf4: {  	[bflag:$0x0] =	sbarrier.arrive $0xFFFF;
	_ =	sdelay $0x1  }
.LBB2_12:
0xf5: {  	[bflag:$0x0] =	sbarrier.arrive $0xFFFF  }
.LBB2_14:
0xf6: {  	_ =	sfence.sel $0x180000  }
0xf7: {  	[bflag:$0x0] =	sbarrier.arrive $0xFFFF  }
0xf8: {  	p0 =	sne.s32 s1, $0x0;
	_ =	strace $0x90000047  }
0xf9: {  	s0 =	sadd.s32 @!p0 $0x100000, s0;
	[bflag:$0x2] =	sbarrier.arrive $0xFFFF  }
0xfa: {  	[sflag:s0] =	ssyncadd.tile.s32 @!p0 $0x1;
	_ =	shalt  }
.LBB2_2:
.Ltmp8:
0xfb: {  	(pc) =	sbr.rel .LBB2_7-.Ltmp8, $4  }
0xfc: {  	_ = 	snop  }
0xfd: {  	v4 =	vimm.f32 $0.0e+00;
	v5 =	vimm.f32 $0.0e+00  }
0xfe: {  	v9 =	vimm.f32 $0.0e+00;
	v11 =	vimm.f32 $0.0e+00;
	v12 =	vimm.f32 $0.0e+00  }
0xff: {  	v1 =	vimm.f32 $0.0e+00;
	v2 =	vimm.f32 $0.0e+00;
	v3 =	vimm.f32 $0.0e+00  }
.LBB2_4:
.Ltmp9:
0x100: {  	(pc) =	sbr.rel .LBB2_7-.Ltmp9, $3  }
0x101: {  	_ =	sdelay $0x1  }
0x102: {  	v4 =	vimm.f32 $0.0e+00;
	v5 =	vimm.f32 $0.0e+00  }
0x103: {  	s5 =	smov.u32 s6;
	v9 =	vimm.f32 $0.0e+00;
	v11 =	vimm.f32 $0.0e+00;
	v12 =	vimm.f32 $0.0e+00  }
.Lfunc_end2:
_tile_overlayer_lowered:
.L_overlay_start_2:
0x104: {  	(tag) =	ssettag $0x2  }
0x105: {  	s0 =	rddreg [dreg:$0x0];
	s2 =	stileid.u32  }
0x106: {  	s1 =	rddreg [dreg:$0x1];
	p0 =	sne.s32 s2, $0x0  }
0x107: {  	s3 =	rddreg [dreg:$0x2];
	[bflag:$0x3] =	sbarrier.arrive $0xFFFF;
	s2 =	simm.s32 @!p0 $0x1C04  }
0x108: {  	[timem:s3], [sflag:s2] =	dma.local @!p0 [hbm:s0], s1  }
0x109: {  	s0 =	simm.s32 @!p0 $0x4  }
0x10a: {  	_ =	swait.ge @!p0 [sflag:s0], s1  }
0x10b: {  	s1 =	ssub.s32 @!p0 $0x0, s1;
	[sflag:s0] =	ssyncset.done @!p0 $0x0  }
0x10c: {  	[sflag:s0] =	ssyncadd.s32 @!p0 s1  }
0x10d: {  	[bflag:$0x3] =	sbarrier.arrive $0xFFFF  }
0x10e: {  	_ =	shalt  }

</sc_bundles>
